<compile_context>
chip_gen: v7x
topology: tpu7x:2x2x1
jax: 0.10.2.dev20260603
libtpu: 0.0.44.dev20260713+nightly
codegen_flags: <defaults>
</compile_context>

<pallas_src>
import functools

import jax
import jax.numpy as jnp
from jax import lax
from jax.experimental import pallas as pl
from jax.experimental.pallas import tpu as pltpu
from jax.experimental.pallas import tpu_sc as plsc

_NUM_TABLES = 1000
_NUM_LAYER = 12
_BATCH = 4096
_D = _NUM_LAYER * 32 * 32
_NC, _NS = 2, 16
_NW = _NC * _NS
_K = 4
_SC_ROWS = 2560
_TC_ROWS = _BATCH - _SC_ROWS
_NSEM = 8
_WIN = 32


def _make_sc_gather(batch):
    b_per_w = batch // _NW
    n_chunk = b_per_w // _K
    mesh = plsc.VectorSubcoreMesh(core_axis_name="c", subcore_axis_name="s")

    @functools.partial(
        pl.kernel,
        mesh=mesh,
        out_type=jax.ShapeDtypeStruct((batch, _D), jnp.float32),
        scratch_types=[
            pltpu.VMEM((n_chunk, _K), jnp.int32),
            pltpu.VMEM((_K, _D), jnp.float32),
            pltpu.VMEM((_K, _D), jnp.float32),
            pltpu.SemaphoreType.DMA,
            pltpu.SemaphoreType.DMA,
            pltpu.SemaphoreType.DMA,
            pltpu.SemaphoreType.DMA,
        ],
    )
    def sc_gather(idx_hbm, table_hbm, out_hbm, idx_v,
                  buf0, buf1, gsem0, gsem1, osem0, osem1):
        wid = lax.axis_index("s") * _NC + lax.axis_index("c")
        pltpu.sync_copy(idx_hbm.at[wid], idx_v)
        base = wid * b_per_w
        bufs = (buf0, buf1)
        gsems = (gsem0, gsem1)
        osems = (osem0, osem1)

        def wait_gather(p):
            pltpu.make_async_copy(
                table_hbm.at[idx_v.at[0]], bufs[p], gsems[p]).wait()

        def wait_out(p):
            pltpu.make_async_copy(
                bufs[p], out_hbm.at[pl.ds(0, _K)], osems[p]).wait()

        def start_gather(j, p):
            pltpu.async_copy(table_hbm.at[idx_v.at[j]], bufs[p], gsems[p])

        def start_out(j, p):
            pltpu.async_copy(bufs[p], out_hbm.at[pl.ds(base + j * _K, _K)],
                             osems[p])

        start_gather(0, 0)
        wait_gather(0)
        start_out(0, 0)
        start_gather(1, 1)

        def body(i, carry):
            j0 = 2 * i + 1
            wait_gather(1)
            start_out(j0, 1)
            wait_out(0)
            start_gather(j0 + 1, 0)
            wait_gather(0)
            start_out(j0 + 1, 0)
            wait_out(1)
            start_gather(j0 + 2, 1)
            return carry

        lax.fori_loop(0, n_chunk // 2 - 1, body, 0)

        j_last = n_chunk - 1
        wait_gather(1)
        start_out(j_last, 1)
        wait_out(0)
        wait_out(1)

    return sc_gather


_sc_gather = _make_sc_gather(_SC_ROWS)


def _tc_body(idx_ref, table_ref, out_ref, *sems):
    def start(j, p):
        pltpu.make_async_copy(
            table_ref.at[pl.ds(idx_ref[j], 1)],
            out_ref.at[pl.ds(j, 1)],
            sems[p],
        ).start()

    def wait(j, p):
        pltpu.make_async_copy(
            table_ref.at[pl.ds(0, 1)],
            out_ref.at[pl.ds(j, 1)],
            sems[p],
        ).wait()

    def body(i, carry):
        for p in range(_NSEM):
            j = i * _NSEM + p
            start(j, p)

            @pl.when(j >= _WIN)
            def _():
                wait(j - _WIN, p)

        return carry

    lax.fori_loop(0, _TC_ROWS // _NSEM, body, 0)

    for j in range(_TC_ROWS - _WIN, _TC_ROWS):
        wait(j, j % _NSEM)


def _tc_gather(idx_tc, table2):
    grid_spec = pltpu.PrefetchScalarGridSpec(
        num_scalar_prefetch=1,
        grid=(1,),
        in_specs=[pl.BlockSpec(memory_space=pl.ANY)],
        out_specs=pl.BlockSpec(memory_space=pl.ANY),
        scratch_shapes=[pltpu.SemaphoreType.DMA] * _NSEM,
    )
    return pl.pallas_call(
        _tc_body,
        grid_spec=grid_spec,
        out_shape=jax.ShapeDtypeStruct((_TC_ROWS, _D), jnp.float32),
    )(idx_tc, table2)


def kernel(img_index, table):
    table2 = table.reshape(_NUM_TABLES, _D)
    idx_sc = lax.slice(img_index, (0,), (_SC_ROWS,)).reshape(
        _NW, _SC_ROWS // _NW // _K, _K)
    idx_tc = lax.slice(img_index, (_SC_ROWS,), (_BATCH,))
    out_sc = _sc_gather(idx_sc, table2)
    out_tc = _tc_gather(idx_tc, table2)
    out2 = jnp.concatenate([out_sc, out_tc], axis=0)
    return out2.reshape(_BATCH, _NUM_LAYER, 32, 32)

# --- scband reference (transcript-rebuilt; emitter-appended) ---
"""Pipeline reference for scband-seg-net-60438779790032 (READ-ONLY COPY).

The authoritative reference and input builder live on the scoring server;
editing this copy changes nothing except your own understanding.
"""

import jax, jax.numpy as jnp
import numpy as np

NUM_TABLES = 1000
NUM_LAYER = 12
BATCH = 4096


def setup_inputs(seed: int = 0) -> dict:
    key = jax.random.key(seed)
    k1, k2 = jax.random.split(key)
    # The ParameterList of NUM_TABLES parameters, each [NUM_LAYER, 32, 32],
    # is materialized as a single stacked embedding-style table.
    table = jax.random.normal(k1, (NUM_TABLES, NUM_LAYER, 32, 32), dtype=jnp.float32)
    img_index = jax.random.randint(k2, (BATCH,), 0, NUM_TABLES, dtype=jnp.int32)
    return {"img_index": img_index, "table": table}


def reference(img_index, table):
    # torch: torch.stack([self.image_feat_lookup_table[i] for i in img_index])
    # == row gather from the stacked parameter table.
    return jnp.take(table, img_index, axis=0)

if __name__ == "__main__":
    import jax
    _d = setup_inputs()
    print(jax.jit(kernel)(*tuple(_d.values())))

</pallas_src>

<mosaic_0001>
#map = affine_map<(d0, d1) -> (0, 0, 0)>
#map1 = affine_map<(d0, d1) -> (0, 0)>
module attributes {stable_mosaic.version = 14 : i64} {
  func.func @sc_gather(%arg0: i32, %arg1: i32, %arg2: memref<32x20x4xi32, #tpu.memory_space<hbm>>, %arg3: memref<1000x12288xf32, #tpu.memory_space<hbm>>, %arg4: memref<2560x12288xf32, #tpu.memory_space<hbm>>, %arg5: memref<20x4xi32, #tpu.memory_space<vmem>>, %arg6: memref<4x12288xf32, #tpu.memory_space<vmem>>, %arg7: memref<4x12288xf32, #tpu.memory_space<vmem>>, %arg8: memref<!tpu.dma_semaphore, #tpu.memory_space<semaphore_mem>>, %arg9: memref<!tpu.dma_semaphore, #tpu.memory_space<semaphore_mem>>, %arg10: memref<!tpu.dma_semaphore, #tpu.memory_space<semaphore_mem>>, %arg11: memref<!tpu.dma_semaphore, #tpu.memory_space<semaphore_mem>>) attributes {dimension_semantics = [#tpu.dimension_semantics<core_parallel>, #tpu.dimension_semantics<subcore_parallel>], iteration_bounds = array<i64: 2, 16>, scalar_prefetch = 0 : i64, scratch_operands = 7 : i64, tpu.core_type = #tpu.core_type<sc_vector_subcore>, window_params = [{transform_indices = #map}, {transform_indices = #map1}, {transform_indices = #map1}]} {
    %mul3A = arith.constant 2 : i32
    %mul3A_0 = arith.muli %arg1, %mul3A : i32
    %add3A = arith.addi %mul3A_0, %arg0 : i32
    "tpu.region"() ({
      %run_scoped3A = tpu.sem_alloc : memref<!tpu.dma_semaphore, #tpu.memory_space<semaphore_mem>>
      %dma_start3A_58 = arith.constant 0 : i32
      %dma_start3A_59 = arith.constant 0 : i32
      %dma_start3A_60 = tpu.memref_slice %arg2[%add3A, %dma_start3A_58, %dma_start3A_59] : memref<32x20x4xi32, #tpu.memory_space<hbm>> -> memref<1x20x4xi32, #tpu.memory_space<hbm>>
      %dma_start3A_61 = tpu.memref_squeeze %dma_start3A_60 : memref<1x20x4xi32, #tpu.memory_space<hbm>> -> memref<20x4xi32, #tpu.memory_space<hbm>>
      %dma_start3A_62 = arith.constant 0 : i32
      %dma_start3A_63 = arith.constant 0 : i32
      %dma_start3A_64 = tpu.memref_slice %arg2[%add3A, %dma_start3A_62, %dma_start3A_63] : memref<32x20x4xi32, #tpu.memory_space<hbm>> -> memref<1x20x4xi32, #tpu.memory_space<hbm>>
      %dma_start3A_65 = tpu.memref_squeeze %dma_start3A_64 : memref<1x20x4xi32, #tpu.memory_space<hbm>> -> memref<20x4xi32, #tpu.memory_space<hbm>>
      tpu.enqueue_dma source(%dma_start3A_65 : memref<20x4xi32, #tpu.memory_space<hbm>>) target(%arg5 : memref<20x4xi32, #tpu.memory_space<vmem>>) target_semaphore(%run_scoped3A : memref<!tpu.dma_semaphore, #tpu.memory_space<semaphore_mem>>)
      %dma_wait3A_66 = arith.constant 0 : i32
      %dma_wait3A_67 = arith.constant 0 : i32
      %dma_wait3A_68 = tpu.memref_slice %arg2[%add3A, %dma_wait3A_66, %dma_wait3A_67] : memref<32x20x4xi32, #tpu.memory_space<hbm>> -> memref<1x20x4xi32, #tpu.memory_space<hbm>>
      %dma_wait3A_69 = tpu.memref_squeeze %dma_wait3A_68 : memref<1x20x4xi32, #tpu.memory_space<hbm>> -> memref<20x4xi32, #tpu.memory_space<hbm>>
      %dma_wait3A_70 = arith.constant 0 : i32
      %dma_wait3A_71 = arith.constant 0 : i32
      %dma_wait3A_72 = tpu.memref_slice %arg2[%add3A, %dma_wait3A_70, %dma_wait3A_71] : memref<32x20x4xi32, #tpu.memory_space<hbm>> -> memref<1x20x4xi32, #tpu.memory_space<hbm>>
      %dma_wait3A_73 = tpu.memref_squeeze %dma_wait3A_72 : memref<1x20x4xi32, #tpu.memory_space<hbm>> -> memref<20x4xi32, #tpu.memory_space<hbm>>
      tpu.wait_dma2 semaphore(%run_scoped3A : memref<!tpu.dma_semaphore, #tpu.memory_space<semaphore_mem>>) src(%dma_wait3A_73 : memref<20x4xi32, #tpu.memory_space<hbm>>) dst(%arg5 : memref<20x4xi32, #tpu.memory_space<vmem>>)
      tpu.yield
    }) : () -> ()
    %mul3A_1 = arith.constant 80 : i32
    %mul3A_2 = arith.muli %add3A, %mul3A_1 : i32
    %dma_start3A = arith.constant 0 : i32
    %dma_start3A_3 = arith.constant 0 : i32
    %dma_start3A_4 = tpu.memref_slice %arg5[%dma_start3A, %dma_start3A_3] : memref<20x4xi32, #tpu.memory_space<vmem>> -> memref<1x4xi32, #tpu.memory_space<vmem>>
    %dma_start3A_5 = tpu.memref_squeeze %dma_start3A_4 : memref<1x4xi32, #tpu.memory_space<vmem>> -> memref<4xi32, #tpu.memory_space<vmem>>
    %dma_start3A_6 = arith.constant 0 : i32
    %dma_start3A_7 = arith.constant 0 : i32
    %dma_start3A_8 = tpu.memref_slice %arg3[%dma_start3A_6, %dma_start3A_7] : memref<1000x12288xf32, #tpu.memory_space<hbm>> -> memref<1000x12288xf32, #tpu.memory_space<hbm>>
    tpu.enqueue_indirect_dma source(%dma_start3A_8 : memref<1000x12288xf32, #tpu.memory_space<hbm>>) target(%arg6 : memref<4x12288xf32, #tpu.memory_space<vmem>>) offsets(%dma_start3A_5 : memref<4xi32, #tpu.memory_space<vmem>>) semaphore(%arg8 : memref<!tpu.dma_semaphore, #tpu.memory_space<semaphore_mem>>)
    %dma_wait3A = arith.constant 0 : i32
    %dma_wait3A_9 = arith.constant 0 : i32
    %dma_wait3A_10 = tpu.memref_slice %arg5[%dma_wait3A, %dma_wait3A_9] : memref<20x4xi32, #tpu.memory_space<vmem>> -> memref<1x4xi32, #tpu.memory_space<vmem>>
    %dma_wait3A_11 = tpu.memref_squeeze %dma_wait3A_10 : memref<1x4xi32, #tpu.memory_space<vmem>> -> memref<4xi32, #tpu.memory_space<vmem>>
    %dma_wait3A_12 = arith.constant 0 : i32
    %dma_wait3A_13 = arith.constant 0 : i32
    %dma_wait3A_14 = tpu.memref_slice %arg3[%dma_wait3A_12, %dma_wait3A_13] : memref<1000x12288xf32, #tpu.memory_space<hbm>> -> memref<1000x12288xf32, #tpu.memory_space<hbm>>
    tpu.wait_indirect_dma semaphore(%arg8 : memref<!tpu.dma_semaphore, #tpu.memory_space<semaphore_mem>>) src(%dma_wait3A_14 : memref<1000x12288xf32, #tpu.memory_space<hbm>>) dst(%arg6 : memref<4x12288xf32, #tpu.memory_space<vmem>>)
    %add3A_15 = arith.constant 0 : i32
    %add3A_16 = arith.addi %mul3A_2, %add3A_15 : i32
    %dma_start3A_17 = arith.constant 0 : i32
    %dma_start3A_18 = tpu.memref_slice %arg4[%add3A_16, %dma_start3A_17] : memref<2560x12288xf32, #tpu.memory_space<hbm>> -> memref<4x12288xf32, #tpu.memory_space<hbm>>
    %dma_start3A_19 = arith.constant 0 : i32
    %dma_start3A_20 = tpu.memref_slice %arg4[%add3A_16, %dma_start3A_19] : memref<2560x12288xf32, #tpu.memory_space<hbm>> -> memref<4x12288xf32, #tpu.memory_space<hbm>>
    tpu.enqueue_dma source(%arg6 : memref<4x12288xf32, #tpu.memory_space<vmem>>) target(%dma_start3A_20 : memref<4x12288xf32, #tpu.memory_space<hbm>>) target_semaphore(%arg10 : memref<!tpu.dma_semaphore, #tpu.memory_space<semaphore_mem>>)
    %dma_start3A_21 = arith.constant 1 : i32
    %dma_start3A_22 = arith.constant 0 : i32
    %dma_start3A_23 = tpu.memref_slice %arg5[%dma_start3A_21, %dma_start3A_22] : memref<20x4xi32, #tpu.memory_space<vmem>> -> memref<1x4xi32, #tpu.memory_space<vmem>>
    %dma_start3A_24 = tpu.memref_squeeze %dma_start3A_23 : memref<1x4xi32, #tpu.memory_space<vmem>> -> memref<4xi32, #tpu.memory_space<vmem>>
    %dma_start3A_25 = arith.constant 0 : i32
    %dma_start3A_26 = arith.constant 0 : i32
    %dma_start3A_27 = tpu.memref_slice %arg3[%dma_start3A_25, %dma_start3A_26] : memref<1000x12288xf32, #tpu.memory_space<hbm>> -> memref<1000x12288xf32, #tpu.memory_space<hbm>>
    tpu.enqueue_indirect_dma source(%dma_start3A_27 : memref<1000x12288xf32, #tpu.memory_space<hbm>>) target(%arg7 : memref<4x12288xf32, #tpu.memory_space<vmem>>) offsets(%dma_start3A_24 : memref<4xi32, #tpu.memory_space<vmem>>) semaphore(%arg9 : memref<!tpu.dma_semaphore, #tpu.memory_space<semaphore_mem>>)
    %scan3A = arith.constant 0 : i32
    %scan3A_28 = arith.constant 0 : i32
    %scan3A_29 = arith.constant 9 : i32
    %scan3A_30 = arith.addi %scan3A_28, %scan3A_29 : i32
    %scan3A_31 = arith.constant 1 : i32
    scf.for %scan3A_58 = %scan3A_28 to %scan3A_30 step %scan3A_31  : i32 {
      %mul3A_59 = arith.constant 2 : i32
      %mul3A_60 = arith.muli %mul3A_59, %scan3A_58 : i32
      %add3A_61 = arith.constant 1 : i32
      %add3A_62 = arith.addi %mul3A_60, %add3A_61 : i32
      %dma_wait3A_63 = arith.constant 0 : i32
      %dma_wait3A_64 = arith.constant 0 : i32
      %dma_wait3A_65 = tpu.memref_slice %arg5[%dma_wait3A_63, %dma_wait3A_64] : memref<20x4xi32, #tpu.memory_space<vmem>> -> memref<1x4xi32, #tpu.memory_space<vmem>>
      %dma_wait3A_66 = tpu.memref_squeeze %dma_wait3A_65 : memref<1x4xi32, #tpu.memory_space<vmem>> -> memref<4xi32, #tpu.memory_space<vmem>>
      %dma_wait3A_67 = arith.constant 0 : i32
      %dma_wait3A_68 = arith.constant 0 : i32
      %dma_wait3A_69 = tpu.memref_slice %arg3[%dma_wait3A_67, %dma_wait3A_68] : memref<1000x12288xf32, #tpu.memory_space<hbm>> -> memref<1000x12288xf32, #tpu.memory_space<hbm>>
      tpu.wait_indirect_dma semaphore(%arg9 : memref<!tpu.dma_semaphore, #tpu.memory_space<semaphore_mem>>) src(%dma_wait3A_69 : memref<1000x12288xf32, #tpu.memory_space<hbm>>) dst(%arg7 : memref<4x12288xf32, #tpu.memory_space<vmem>>)
      %mul3A_70 = arith.constant 4 : i32
      %mul3A_71 = arith.muli %add3A_62, %mul3A_70 : i32
      %add3A_72 = arith.addi %mul3A_2, %mul3A_71 : i32
      %dma_start3A_73 = arith.constant 0 : i32
      %dma_start3A_74 = tpu.memref_slice %arg4[%add3A_72, %dma_start3A_73] : memref<2560x12288xf32, #tpu.memory_space<hbm>> -> memref<4x12288xf32, #tpu.memory_space<hbm>>
      %dma_start3A_75 = arith.constant 0 : i32
      %dma_start3A_76 = tpu.memref_slice %arg4[%add3A_72, %dma_start3A_75] : memref<2560x12288xf32, #tpu.memory_space<hbm>> -> memref<4x12288xf32, #tpu.memory_space<hbm>>
      tpu.enqueue_dma source(%arg7 : memref<4x12288xf32, #tpu.memory_space<vmem>>) target(%dma_start3A_76 : memref<4x12288xf32, #tpu.memory_space<hbm>>) target_semaphore(%arg11 : memref<!tpu.dma_semaphore, #tpu.memory_space<semaphore_mem>>)
      %dma_wait3A_77 = arith.constant 0 : i32
      %dma_wait3A_78 = arith.constant 0 : i32
      %dma_wait3A_79 = tpu.memref_slice %arg4[%dma_wait3A_77, %dma_wait3A_78] : memref<2560x12288xf32, #tpu.memory_space<hbm>> -> memref<4x12288xf32, #tpu.memory_space<hbm>>
      %dma_wait3A_80 = arith.constant 0 : i32
      %dma_wait3A_81 = arith.constant 0 : i32
      %dma_wait3A_82 = tpu.memref_slice %arg4[%dma_wait3A_80, %dma_wait3A_81] : memref<2560x12288xf32, #tpu.memory_space<hbm>> -> memref<4x12288xf32, #tpu.memory_space<hbm>>
      tpu.wait_dma2 semaphore(%arg10 : memref<!tpu.dma_semaphore, #tpu.memory_space<semaphore_mem>>) src(%arg6 : memref<4x12288xf32, #tpu.memory_space<vmem>>) dst(%dma_wait3A_82 : memref<4x12288xf32, #tpu.memory_space<hbm>>)
      %add3A_83 = arith.constant 1 : i32
      %add3A_84 = arith.addi %add3A_62, %add3A_83 : i32
      %dma_start3A_85 = arith.constant 0 : i32
      %dma_start3A_86 = tpu.memref_slice %arg5[%add3A_84, %dma_start3A_85] : memref<20x4xi32, #tpu.memory_space<vmem>> -> memref<1x4xi32, #tpu.memory_space<vmem>>
      %dma_start3A_87 = tpu.memref_squeeze %dma_start3A_86 : memref<1x4xi32, #tpu.memory_space<vmem>> -> memref<4xi32, #tpu.memory_space<vmem>>
      %dma_start3A_88 = arith.constant 0 : i32
      %dma_start3A_89 = arith.constant 0 : i32
      %dma_start3A_90 = tpu.memref_slice %arg3[%dma_start3A_88, %dma_start3A_89] : memref<1000x12288xf32, #tpu.memory_space<hbm>> -> memref<1000x12288xf32, #tpu.memory_space<hbm>>
      tpu.enqueue_indirect_dma source(%dma_start3A_90 : memref<1000x12288xf32, #tpu.memory_space<hbm>>) target(%arg6 : memref<4x12288xf32, #tpu.memory_space<vmem>>) offsets(%dma_start3A_87 : memref<4xi32, #tpu.memory_space<vmem>>) semaphore(%arg8 : memref<!tpu.dma_semaphore, #tpu.memory_space<semaphore_mem>>)
      %dma_wait3A_91 = arith.constant 0 : i32
      %dma_wait3A_92 = arith.constant 0 : i32
      %dma_wait3A_93 = tpu.memref_slice %arg5[%dma_wait3A_91, %dma_wait3A_92] : memref<20x4xi32, #tpu.memory_space<vmem>> -> memref<1x4xi32, #tpu.memory_space<vmem>>
      %dma_wait3A_94 = tpu.memref_squeeze %dma_wait3A_93 : memref<1x4xi32, #tpu.memory_space<vmem>> -> memref<4xi32, #tpu.memory_space<vmem>>
      %dma_wait3A_95 = arith.constant 0 : i32
      %dma_wait3A_96 = arith.constant 0 : i32
      %dma_wait3A_97 = tpu.memref_slice %arg3[%dma_wait3A_95, %dma_wait3A_96] : memref<1000x12288xf32, #tpu.memory_space<hbm>> -> memref<1000x12288xf32, #tpu.memory_space<hbm>>
      tpu.wait_indirect_dma semaphore(%arg8 : memref<!tpu.dma_semaphore, #tpu.memory_space<semaphore_mem>>) src(%dma_wait3A_97 : memref<1000x12288xf32, #tpu.memory_space<hbm>>) dst(%arg6 : memref<4x12288xf32, #tpu.memory_space<vmem>>)
      %add3A_98 = arith.constant 1 : i32
      %add3A_99 = arith.addi %add3A_62, %add3A_98 : i32
      %mul3A_100 = arith.constant 4 : i32
      %mul3A_101 = arith.muli %add3A_99, %mul3A_100 : i32
      %add3A_102 = arith.addi %mul3A_2, %mul3A_101 : i32
      %dma_start3A_103 = arith.constant 0 : i32
      %dma_start3A_104 = tpu.memref_slice %arg4[%add3A_102, %dma_start3A_103] : memref<2560x12288xf32, #tpu.memory_space<hbm>> -> memref<4x12288xf32, #tpu.memory_space<hbm>>
      %dma_start3A_105 = arith.constant 0 : i32
      %dma_start3A_106 = tpu.memref_slice %arg4[%add3A_102, %dma_start3A_105] : memref<2560x12288xf32, #tpu.memory_space<hbm>> -> memref<4x12288xf32, #tpu.memory_space<hbm>>
      tpu.enqueue_dma source(%arg6 : memref<4x12288xf32, #tpu.memory_space<vmem>>) target(%dma_start3A_106 : memref<4x12288xf32, #tpu.memory_space<hbm>>) target_semaphore(%arg10 : memref<!tpu.dma_semaphore, #tpu.memory_space<semaphore_mem>>)
      %dma_wait3A_107 = arith.constant 0 : i32
      %dma_wait3A_108 = arith.constant 0 : i32
      %dma_wait3A_109 = tpu.memref_slice %arg4[%dma_wait3A_107, %dma_wait3A_108] : memref<2560x12288xf32, #tpu.memory_space<hbm>> -> memref<4x12288xf32, #tpu.memory_space<hbm>>
      %dma_wait3A_110 = arith.constant 0 : i32
      %dma_wait3A_111 = arith.constant 0 : i32
      %dma_wait3A_112 = tpu.memref_slice %arg4[%dma_wait3A_110, %dma_wait3A_111] : memref<2560x12288xf32, #tpu.memory_space<hbm>> -> memref<4x12288xf32, #tpu.memory_space<hbm>>
      tpu.wait_dma2 semaphore(%arg11 : memref<!tpu.dma_semaphore, #tpu.memory_space<semaphore_mem>>) src(%arg7 : memref<4x12288xf32, #tpu.memory_space<vmem>>) dst(%dma_wait3A_112 : memref<4x12288xf32, #tpu.memory_space<hbm>>)
      %add3A_113 = arith.constant 2 : i32
      %add3A_114 = arith.addi %add3A_62, %add3A_113 : i32
      %dma_start3A_115 = arith.constant 0 : i32
      %dma_start3A_116 = tpu.memref_slice %arg5[%add3A_114, %dma_start3A_115] : memref<20x4xi32, #tpu.memory_space<vmem>> -> memref<1x4xi32, #tpu.memory_space<vmem>>
      %dma_start3A_117 = tpu.memref_squeeze %dma_start3A_116 : memref<1x4xi32, #tpu.memory_space<vmem>> -> memref<4xi32, #tpu.memory_space<vmem>>
      %dma_start3A_118 = arith.constant 0 : i32
      %dma_start3A_119 = arith.constant 0 : i32
      %dma_start3A_120 = tpu.memref_slice %arg3[%dma_start3A_118, %dma_start3A_119] : memref<1000x12288xf32, #tpu.memory_space<hbm>> -> memref<1000x12288xf32, #tpu.memory_space<hbm>>
      tpu.enqueue_indirect_dma source(%dma_start3A_120 : memref<1000x12288xf32, #tpu.memory_space<hbm>>) target(%arg7 : memref<4x12288xf32, #tpu.memory_space<vmem>>) offsets(%dma_start3A_117 : memref<4xi32, #tpu.memory_space<vmem>>) semaphore(%arg9 : memref<!tpu.dma_semaphore, #tpu.memory_space<semaphore_mem>>)
    }
    %scan3A_32 = arith.constant 9 : i32
    %dma_wait3A_33 = arith.constant 0 : i32
    %dma_wait3A_34 = arith.constant 0 : i32
    %dma_wait3A_35 = tpu.memref_slice %arg5[%dma_wait3A_33, %dma_wait3A_34] : memref<20x4xi32, #tpu.memory_space<vmem>> -> memref<1x4xi32, #tpu.memory_space<vmem>>
    %dma_wait3A_36 = tpu.memref_squeeze %dma_wait3A_35 : memref<1x4xi32, #tpu.memory_space<vmem>> -> memref<4xi32, #tpu.memory_space<vmem>>
    %dma_wait3A_37 = arith.constant 0 : i32
    %dma_wait3A_38 = arith.constant 0 : i32
    %dma_wait3A_39 = tpu.memref_slice %arg3[%dma_wait3A_37, %dma_wait3A_38] : memref<1000x12288xf32, #tpu.memory_space<hbm>> -> memref<1000x12288xf32, #tpu.memory_space<hbm>>
    tpu.wait_indirect_dma semaphore(%arg9 : memref<!tpu.dma_semaphore, #tpu.memory_space<semaphore_mem>>) src(%dma_wait3A_39 : memref<1000x12288xf32, #tpu.memory_space<hbm>>) dst(%arg7 : memref<4x12288xf32, #tpu.memory_space<vmem>>)
    %add3A_40 = arith.constant 76 : i32
    %add3A_41 = arith.addi %mul3A_2, %add3A_40 : i32
    %dma_start3A_42 = arith.constant 0 : i32
    %dma_start3A_43 = tpu.memref_slice %arg4[%add3A_41, %dma_start3A_42] : memref<2560x12288xf32, #tpu.memory_space<hbm>> -> memref<4x12288xf32, #tpu.memory_space<hbm>>
    %dma_start3A_44 = arith.constant 0 : i32
    %dma_start3A_45 = tpu.memref_slice %arg4[%add3A_41, %dma_start3A_44] : memref<2560x12288xf32, #tpu.memory_space<hbm>> -> memref<4x12288xf32, #tpu.memory_space<hbm>>
    tpu.enqueue_dma source(%arg7 : memref<4x12288xf32, #tpu.memory_space<vmem>>) target(%dma_start3A_45 : memref<4x12288xf32, #tpu.memory_space<hbm>>) target_semaphore(%arg11 : memref<!tpu.dma_semaphore, #tpu.memory_space<semaphore_mem>>)
    %dma_wait3A_46 = arith.constant 0 : i32
    %dma_wait3A_47 = arith.constant 0 : i32
    %dma_wait3A_48 = tpu.memref_slice %arg4[%dma_wait3A_46, %dma_wait3A_47] : memref<2560x12288xf32, #tpu.memory_space<hbm>> -> memref<4x12288xf32, #tpu.memory_space<hbm>>
    %dma_wait3A_49 = arith.constant 0 : i32
    %dma_wait3A_50 = arith.constant 0 : i32
    %dma_wait3A_51 = tpu.memref_slice %arg4[%dma_wait3A_49, %dma_wait3A_50] : memref<2560x12288xf32, #tpu.memory_space<hbm>> -> memref<4x12288xf32, #tpu.memory_space<hbm>>
    tpu.wait_dma2 semaphore(%arg10 : memref<!tpu.dma_semaphore, #tpu.memory_space<semaphore_mem>>) src(%arg6 : memref<4x12288xf32, #tpu.memory_space<vmem>>) dst(%dma_wait3A_51 : memref<4x12288xf32, #tpu.memory_space<hbm>>)
    %dma_wait3A_52 = arith.constant 0 : i32
    %dma_wait3A_53 = arith.constant 0 : i32
    %dma_wait3A_54 = tpu.memref_slice %arg4[%dma_wait3A_52, %dma_wait3A_53] : memref<2560x12288xf32, #tpu.memory_space<hbm>> -> memref<4x12288xf32, #tpu.memory_space<hbm>>
    %dma_wait3A_55 = arith.constant 0 : i32
    %dma_wait3A_56 = arith.constant 0 : i32
    %dma_wait3A_57 = tpu.memref_slice %arg4[%dma_wait3A_55, %dma_wait3A_56] : memref<2560x12288xf32, #tpu.memory_space<hbm>> -> memref<4x12288xf32, #tpu.memory_space<hbm>>
    tpu.wait_dma2 semaphore(%arg11 : memref<!tpu.dma_semaphore, #tpu.memory_space<semaphore_mem>>) src(%arg7 : memref<4x12288xf32, #tpu.memory_space<vmem>>) dst(%dma_wait3A_57 : memref<4x12288xf32, #tpu.memory_space<hbm>>)
    return
  }
}

module attributes {stable_mosaic.version = 14 : i64} {
  func.func @_tc_body(%arg0: i32, %arg1: memref<1536xi32, #tpu.memory_space<smem>>, %arg2: memref<1000x12288xf32, #tpu.memory_space<any>>, %arg3: memref<1536x12288xf32, #tpu.memory_space<any>>, %arg4: memref<!tpu.dma_semaphore, #tpu.memory_space<semaphore_mem>>, %arg5: memref<!tpu.dma_semaphore, #tpu.memory_space<semaphore_mem>>, %arg6: memref<!tpu.dma_semaphore, #tpu.memory_space<semaphore_mem>>, %arg7: memref<!tpu.dma_semaphore, #tpu.memory_space<semaphore_mem>>, %arg8: memref<!tpu.dma_semaphore, #tpu.memory_space<semaphore_mem>>, %arg9: memref<!tpu.dma_semaphore, #tpu.memory_space<semaphore_mem>>, %arg10: memref<!tpu.dma_semaphore, #tpu.memory_space<semaphore_mem>>, %arg11: memref<!tpu.dma_semaphore, #tpu.memory_space<semaphore_mem>>) attributes {dimension_semantics = [#tpu.dimension_semantics<arbitrary>], iteration_bounds = array<i64: 1>, scalar_prefetch = 1 : i64, scratch_operands = 8 : i64, tpu.core_type = #tpu.core_type<tc>, window_params = [{}, {}]} {
    %scan3A = arith.constant 0 : i32
    %scan3A_0 = arith.constant 192 : i32
    %scan3A_1 = arith.addi %scan3A, %scan3A_0 : i32
    %scan3A_2 = arith.constant 1 : i32
    scf.for %scan3A_195 = %scan3A to %scan3A_1 step %scan3A_2  : i32 {
      %mul3A = arith.constant 8 : i32
      %mul3A_196 = arith.muli %scan3A_195, %mul3A : i32
      %add3A = arith.constant 0 : i32
      %add3A_197 = arith.addi %mul3A_196, %add3A : i32
      %get3A = arith.index_cast %add3A_197 : i32 to index
      %get3A_198 = memref.load %arg1[%get3A] : memref<1536xi32, #tpu.memory_space<smem>>
      %dma_start3A = arith.constant 0 : i32
      %dma_start3A_199 = tpu.memref_slice %arg3[%add3A_197, %dma_start3A] : memref<1536x12288xf32, #tpu.memory_space<any>> -> memref<1x12288xf32, #tpu.memory_space<any>>
      %dma_start3A_200 = arith.constant 0 : i32
      %dma_start3A_201 = tpu.memref_slice %arg2[%get3A_198, %dma_start3A_200] : memref<1000x12288xf32, #tpu.memory_space<any>> -> memref<1x12288xf32, #tpu.memory_space<any>>
      tpu.enqueue_dma source(%dma_start3A_201 : memref<1x12288xf32, #tpu.memory_space<any>>) target(%dma_start3A_199 : memref<1x12288xf32, #tpu.memory_space<any>>) target_semaphore(%arg4 : memref<!tpu.dma_semaphore, #tpu.memory_space<semaphore_mem>>)
      %ge3A = arith.constant 32 : i32
      %ge3A_202 = arith.cmpi sge, %add3A_197, %ge3A : i32
      %convert_element_type3A = arith.extui %ge3A_202 : i1 to i32
      %cond3A = arith.constant 0 : i32
      %cond3A_203 = arith.cmpi ne, %convert_element_type3A, %cond3A : i32
      scf.if %cond3A_203 {
        %sub3A = arith.constant 32 : i32
        %sub3A_309 = arith.subi %add3A_197, %sub3A : i32
        %dma_wait3A_310 = arith.constant 0 : i32
        %dma_wait3A_311 = tpu.memref_slice %arg3[%sub3A_309, %dma_wait3A_310] : memref<1536x12288xf32, #tpu.memory_space<any>> -> memref<1x12288xf32, #tpu.memory_space<any>>
        %dma_wait3A_312 = arith.constant 0 : i32
        %dma_wait3A_313 = arith.constant 0 : i32
        %dma_wait3A_314 = tpu.memref_slice %arg2[%dma_wait3A_312, %dma_wait3A_313] : memref<1000x12288xf32, #tpu.memory_space<any>> -> memref<1x12288xf32, #tpu.memory_space<any>>
        tpu.wait_dma2 semaphore(%arg4 : memref<!tpu.dma_semaphore, #tpu.memory_space<semaphore_mem>>) src(%dma_wait3A_314 : memref<1x12288xf32, #tpu.memory_space<any>>) dst(%dma_wait3A_311 : memref<1x12288xf32, #tpu.memory_space<any>>)
      } else {
      }
      %mul3A_204 = arith.constant 8 : i32
      %mul3A_205 = arith.muli %scan3A_195, %mul3A_204 : i32
      %add3A_206 = arith.constant 1 : i32
      %add3A_207 = arith.addi %mul3A_205, %add3A_206 : i32
      %get3A_208 = arith.index_cast %add3A_207 : i32 to index
      %get3A_209 = memref.load %arg1[%get3A_208] : memref<1536xi32, #tpu.memory_space<smem>>
      %dma_start3A_210 = arith.constant 0 : i32
      %dma_start3A_211 = tpu.memref_slice %arg3[%add3A_207, %dma_start3A_210] : memref<1536x12288xf32, #tpu.memory_space<any>> -> memref<1x12288xf32, #tpu.memory_space<any>>
      %dma_start3A_212 = arith.constant 0 : i32
      %dma_start3A_213 = tpu.memref_slice %arg2[%get3A_209, %dma_start3A_212] : memref<1000x12288xf32, #tpu.memory_space<any>> -> memref<1x12288xf32, #tpu.memory_space<any>>
      tpu.enqueue_dma source(%dma_start3A_213 : memref<1x12288xf32, #tpu.memory_space<any>>) target(%dma_start3A_211 : memref<1x12288xf32, #tpu.memory_space<any>>) target_semaphore(%arg5 : memref<!tpu.dma_semaphore, #tpu.memory_space<semaphore_mem>>)
      %ge3A_214 = arith.constant 32 : i32
      %ge3A_215 = arith.cmpi sge, %add3A_207, %ge3A_214 : i32
      %convert_element_type3A_216 = arith.extui %ge3A_215 : i1 to i32
      %cond3A_217 = arith.constant 0 : i32
      %cond3A_218 = arith.cmpi ne, %convert_element_type3A_216, %cond3A_217 : i32
      scf.if %cond3A_218 {
        %sub3A = arith.constant 32 : i32
        %sub3A_309 = arith.subi %add3A_207, %sub3A : i32
        %dma_wait3A_310 = arith.constant 0 : i32
        %dma_wait3A_311 = tpu.memref_slice %arg3[%sub3A_309, %dma_wait3A_310] : memref<1536x12288xf32, #tpu.memory_space<any>> -> memref<1x12288xf32, #tpu.memory_space<any>>
        %dma_wait3A_312 = arith.constant 0 : i32
        %dma_wait3A_313 = arith.constant 0 : i32
        %dma_wait3A_314 = tpu.memref_slice %arg2[%dma_wait3A_312, %dma_wait3A_313] : memref<1000x12288xf32, #tpu.memory_space<any>> -> memref<1x12288xf32, #tpu.memory_space<any>>
        tpu.wait_dma2 semaphore(%arg5 : memref<!tpu.dma_semaphore, #tpu.memory_space<semaphore_mem>>) src(%dma_wait3A_314 : memref<1x12288xf32, #tpu.memory_space<any>>) dst(%dma_wait3A_311 : memref<1x12288xf32, #tpu.memory_space<any>>)
      } else {
      }
      %mul3A_219 = arith.constant 8 : i32
      %mul3A_220 = arith.muli %scan3A_195, %mul3A_219 : i32
      %add3A_221 = arith.constant 2 : i32
      %add3A_222 = arith.addi %mul3A_220, %add3A_221 : i32
      %get3A_223 = arith.index_cast %add3A_222 : i32 to index
      %get3A_224 = memref.load %arg1[%get3A_223] : memref<1536xi32, #tpu.memory_space<smem>>
      %dma_start3A_225 = arith.constant 0 : i32
      %dma_start3A_226 = tpu.memref_slice %arg3[%add3A_222, %dma_start3A_225] : memref<1536x12288xf32, #tpu.memory_space<any>> -> memref<1x12288xf32, #tpu.memory_space<any>>
      %dma_start3A_227 = arith.constant 0 : i32
      %dma_start3A_228 = tpu.memref_slice %arg2[%get3A_224, %dma_start3A_227] : memref<1000x12288xf32, #tpu.memory_space<any>> -> memref<1x12288xf32, #tpu.memory_space<any>>
      tpu.enqueue_dma source(%dma_start3A_228 : memref<1x12288xf32, #tpu.memory_space<any>>) target(%dma_start3A_226 : memref<1x12288xf32, #tpu.memory_space<any>>) target_semaphore(%arg6 : memref<!tpu.dma_semaphore, #tpu.memory_space<semaphore_mem>>)
      %ge3A_229 = arith.constant 32 : i32
      %ge3A_230 = arith.cmpi sge, %add3A_222, %ge3A_229 : i32
      %convert_element_type3A_231 = arith.extui %ge3A_230 : i1 to i32
      %cond3A_232 = arith.constant 0 : i32
      %cond3A_233 = arith.cmpi ne, %convert_element_type3A_231, %cond3A_232 : i32
      scf.if %cond3A_233 {
        %sub3A = arith.constant 32 : i32
        %sub3A_309 = arith.subi %add3A_222, %sub3A : i32
        %dma_wait3A_310 = arith.constant 0 : i32
        %dma_wait3A_311 = tpu.memref_slice %arg3[%sub3A_309, %dma_wait3A_310] : memref<1536x12288xf32, #tpu.memory_space<any>> -> memref<1x12288xf32, #tpu.memory_space<any>>
        %dma_wait3A_312 = arith.constant 0 : i32
        %dma_wait3A_313 = arith.constant 0 : i32
        %dma_wait3A_314 = tpu.memref_slice %arg2[%dma_wait3A_312, %dma_wait3A_313] : memref<1000x12288xf32, #tpu.memory_space<any>> -> memref<1x12288xf32, #tpu.memory_space<any>>
        tpu.wait_dma2 semaphore(%arg6 : memref<!tpu.dma_semaphore, #tpu.memory_space<semaphore_mem>>) src(%dma_wait3A_314 : memref<1x12288xf32, #tpu.memory_space<any>>) dst(%dma_wait3A_311 : memref<1x12288xf32, #tpu.memory_space<any>>)
      } else {
      }
      %mul3A_234 = arith.constant 8 : i32
      %mul3A_235 = arith.muli %scan3A_195, %mul3A_234 : i32
      %add3A_236 = arith.constant 3 : i32
      %add3A_237 = arith.addi %mul3A_235, %add3A_236 : i32
      %get3A_238 = arith.index_cast %add3A_237 : i32 to index
      %get3A_239 = memref.load %arg1[%get3A_238] : memref<1536xi32, #tpu.memory_space<smem>>
      %dma_start3A_240 = arith.constant 0 : i32
      %dma_start3A_241 = tpu.memref_slice %arg3[%add3A_237, %dma_start3A_240] : memref<1536x12288xf32, #tpu.memory_space<any>> -> memref<1x12288xf32, #tpu.memory_space<any>>
      %dma_start3A_242 = arith.constant 0 : i32
      %dma_start3A_243 = tpu.memref_slice %arg2[%get3A_239, %dma_start3A_242] : memref<1000x12288xf32, #tpu.memory_space<any>> -> memref<1x12288xf32, #tpu.memory_space<any>>
      tpu.enqueue_dma source(%dma_start3A_243 : memref<1x12288xf32, #tpu.memory_space<any>>) target(%dma_start3A_241 : memref<1x12288xf32, #tpu.memory_space<any>>) target_semaphore(%arg7 : memref<!tpu.dma_semaphore, #tpu.memory_space<semaphore_mem>>)
      %ge3A_244 = arith.constant 32 : i32
      %ge3A_245 = arith.cmpi sge, %add3A_237, %ge3A_244 : i32
      %convert_element_type3A_246 = arith.extui %ge3A_245 : i1 to i32
      %cond3A_247 = arith.constant 0 : i32
      %cond3A_248 = arith.cmpi ne, %convert_element_type3A_246, %cond3A_247 : i32
      scf.if %cond3A_248 {
        %sub3A = arith.constant 32 : i32
        %sub3A_309 = arith.subi %add3A_237, %sub3A : i32
        %dma_wait3A_310 = arith.constant 0 : i32
        %dma_wait3A_311 = tpu.memref_slice %arg3[%sub3A_309, %dma_wait3A_310] : memref<1536x12288xf32, #tpu.memory_space<any>> -> memref<1x12288xf32, #tpu.memory_space<any>>
        %dma_wait3A_312 = arith.constant 0 : i32
        %dma_wait3A_313 = arith.constant 0 : i32
        %dma_wait3A_314 = tpu.memref_slice %arg2[%dma_wait3A_312, %dma_wait3A_313] : memref<1000x12288xf32, #tpu.memory_space<any>> -> memref<1x12288xf32, #tpu.memory_space<any>>
        tpu.wait_dma2 semaphore(%arg7 : memref<!tpu.dma_semaphore, #tpu.memory_space<semaphore_mem>>) src(%dma_wait3A_314 : memref<1x12288xf32, #tpu.memory_space<any>>) dst(%dma_wait3A_311 : memref<1x12288xf32, #tpu.memory_space<any>>)
      } else {
      }
      %mul3A_249 = arith.constant 8 : i32
      %mul3A_250 = arith.muli %scan3A_195, %mul3A_249 : i32
      %add3A_251 = arith.constant 4 : i32
      %add3A_252 = arith.addi %mul3A_250, %add3A_251 : i32
      %get3A_253 = arith.index_cast %add3A_252 : i32 to index
      %get3A_254 = memref.load %arg1[%get3A_253] : memref<1536xi32, #tpu.memory_space<smem>>
      %dma_start3A_255 = arith.constant 0 : i32
      %dma_start3A_256 = tpu.memref_slice %arg3[%add3A_252, %dma_start3A_255] : memref<1536x12288xf32, #tpu.memory_space<any>> -> memref<1x12288xf32, #tpu.memory_space<any>>
      %dma_start3A_257 = arith.constant 0 : i32
      %dma_start3A_258 = tpu.memref_slice %arg2[%get3A_254, %dma_start3A_257] : memref<1000x12288xf32, #tpu.memory_space<any>> -> memref<1x12288xf32, #tpu.memory_space<any>>
      tpu.enqueue_dma source(%dma_start3A_258 : memref<1x12288xf32, #tpu.memory_space<any>>) target(%dma_start3A_256 : memref<1x12288xf32, #tpu.memory_space<any>>) target_semaphore(%arg8 : memref<!tpu.dma_semaphore, #tpu.memory_space<semaphore_mem>>)
      %ge3A_259 = arith.constant 32 : i32
      %ge3A_260 = arith.cmpi sge, %add3A_252, %ge3A_259 : i32
      %convert_element_type3A_261 = arith.extui %ge3A_260 : i1 to i32
      %cond3A_262 = arith.constant 0 : i32
      %cond3A_263 = arith.cmpi ne, %convert_element_type3A_261, %cond3A_262 : i32
      scf.if %cond3A_263 {
        %sub3A = arith.constant 32 : i32
        %sub3A_309 = arith.subi %add3A_252, %sub3A : i32
        %dma_wait3A_310 = arith.constant 0 : i32
        %dma_wait3A_311 = tpu.memref_slice %arg3[%sub3A_309, %dma_wait3A_310] : memref<1536x12288xf32, #tpu.memory_space<any>> -> memref<1x12288xf32, #tpu.memory_space<any>>
        %dma_wait3A_312 = arith.constant 0 : i32
        %dma_wait3A_313 = arith.constant 0 : i32
        %dma_wait3A_314 = tpu.memref_slice %arg2[%dma_wait3A_312, %dma_wait3A_313] : memref<1000x12288xf32, #tpu.memory_space<any>> -> memref<1x12288xf32, #tpu.memory_space<any>>
        tpu.wait_dma2 semaphore(%arg8 : memref<!tpu.dma_semaphore, #tpu.memory_space<semaphore_mem>>) src(%dma_wait3A_314 : memref<1x12288xf32, #tpu.memory_space<any>>) dst(%dma_wait3A_311 : memref<1x12288xf32, #tpu.memory_space<any>>)
      } else {
      }
      %mul3A_264 = arith.constant 8 : i32
      %mul3A_265 = arith.muli %scan3A_195, %mul3A_264 : i32
      %add3A_266 = arith.constant 5 : i32
      %add3A_267 = arith.addi %mul3A_265, %add3A_266 : i32
      %get3A_268 = arith.index_cast %add3A_267 : i32 to index
      %get3A_269 = memref.load %arg1[%get3A_268] : memref<1536xi32, #tpu.memory_space<smem>>
      %dma_start3A_270 = arith.constant 0 : i32
      %dma_start3A_271 = tpu.memref_slice %arg3[%add3A_267, %dma_start3A_270] : memref<1536x12288xf32, #tpu.memory_space<any>> -> memref<1x12288xf32, #tpu.memory_space<any>>
      %dma_start3A_272 = arith.constant 0 : i32
      %dma_start3A_273 = tpu.memref_slice %arg2[%get3A_269, %dma_start3A_272] : memref<1000x12288xf32, #tpu.memory_space<any>> -> memref<1x12288xf32, #tpu.memory_space<any>>
      tpu.enqueue_dma source(%dma_start3A_273 : memref<1x12288xf32, #tpu.memory_space<any>>) target(%dma_start3A_271 : memref<1x12288xf32, #tpu.memory_space<any>>) target_semaphore(%arg9 : memref<!tpu.dma_semaphore, #tpu.memory_space<semaphore_mem>>)
      %ge3A_274 = arith.constant 32 : i32
      %ge3A_275 = arith.cmpi sge, %add3A_267, %ge3A_274 : i32
      %convert_element_type3A_276 = arith.extui %ge3A_275 : i1 to i32
      %cond3A_277 = arith.constant 0 : i32
      %cond3A_278 = arith.cmpi ne, %convert_element_type3A_276, %cond3A_277 : i32
      scf.if %cond3A_278 {
        %sub3A = arith.constant 32 : i32
        %sub3A_309 = arith.subi %add3A_267, %sub3A : i32
        %dma_wait3A_310 = arith.constant 0 : i32
        %dma_wait3A_311 = tpu.memref_slice %arg3[%sub3A_309, %dma_wait3A_310] : memref<1536x12288xf32, #tpu.memory_space<any>> -> memref<1x12288xf32, #tpu.memory_space<any>>
        %dma_wait3A_312 = arith.constant 0 : i32
        %dma_wait3A_313 = arith.constant 0 : i32
        %dma_wait3A_314 = tpu.memref_slice %arg2[%dma_wait3A_312, %dma_wait3A_313] : memref<1000x12288xf32, #tpu.memory_space<any>> -> memref<1x12288xf32, #tpu.memory_space<any>>
        tpu.wait_dma2 semaphore(%arg9 : memref<!tpu.dma_semaphore, #tpu.memory_space<semaphore_mem>>) src(%dma_wait3A_314 : memref<1x12288xf32, #tpu.memory_space<any>>) dst(%dma_wait3A_311 : memref<1x12288xf32, #tpu.memory_space<any>>)
      } else {
      }
      %mul3A_279 = arith.constant 8 : i32
      %mul3A_280 = arith.muli %scan3A_195, %mul3A_279 : i32
      %add3A_281 = arith.constant 6 : i32
      %add3A_282 = arith.addi %mul3A_280, %add3A_281 : i32
      %get3A_283 = arith.index_cast %add3A_282 : i32 to index
      %get3A_284 = memref.load %arg1[%get3A_283] : memref<1536xi32, #tpu.memory_space<smem>>
      %dma_start3A_285 = arith.constant 0 : i32
      %dma_start3A_286 = tpu.memref_slice %arg3[%add3A_282, %dma_start3A_285] : memref<1536x12288xf32, #tpu.memory_space<any>> -> memref<1x12288xf32, #tpu.memory_space<any>>
      %dma_start3A_287 = arith.constant 0 : i32
      %dma_start3A_288 = tpu.memref_slice %arg2[%get3A_284, %dma_start3A_287] : memref<1000x12288xf32, #tpu.memory_space<any>> -> memref<1x12288xf32, #tpu.memory_space<any>>
      tpu.enqueue_dma source(%dma_start3A_288 : memref<1x12288xf32, #tpu.memory_space<any>>) target(%dma_start3A_286 : memref<1x12288xf32, #tpu.memory_space<any>>) target_semaphore(%arg10 : memref<!tpu.dma_semaphore, #tpu.memory_space<semaphore_mem>>)
      %ge3A_289 = arith.constant 32 : i32
      %ge3A_290 = arith.cmpi sge, %add3A_282, %ge3A_289 : i32
      %convert_element_type3A_291 = arith.extui %ge3A_290 : i1 to i32
      %cond3A_292 = arith.constant 0 : i32
      %cond3A_293 = arith.cmpi ne, %convert_element_type3A_291, %cond3A_292 : i32
      scf.if %cond3A_293 {
        %sub3A = arith.constant 32 : i32
        %sub3A_309 = arith.subi %add3A_282, %sub3A : i32
        %dma_wait3A_310 = arith.constant 0 : i32
        %dma_wait3A_311 = tpu.memref_slice %arg3[%sub3A_309, %dma_wait3A_310] : memref<1536x12288xf32, #tpu.memory_space<any>> -> memref<1x12288xf32, #tpu.memory_space<any>>
        %dma_wait3A_312 = arith.constant 0 : i32
        %dma_wait3A_313 = arith.constant 0 : i32
        %dma_wait3A_314 = tpu.memref_slice %arg2[%dma_wait3A_312, %dma_wait3A_313] : memref<1000x12288xf32, #tpu.memory_space<any>> -> memref<1x12288xf32, #tpu.memory_space<any>>
        tpu.wait_dma2 semaphore(%arg10 : memref<!tpu.dma_semaphore, #tpu.memory_space<semaphore_mem>>) src(%dma_wait3A_314 : memref<1x12288xf32, #tpu.memory_space<any>>) dst(%dma_wait3A_311 : memref<1x12288xf32, #tpu.memory_space<any>>)
      } else {
      }
      %mul3A_294 = arith.constant 8 : i32
      %mul3A_295 = arith.muli %scan3A_195, %mul3A_294 : i32
      %add3A_296 = arith.constant 7 : i32
      %add3A_297 = arith.addi %mul3A_295, %add3A_296 : i32
      %get3A_298 = arith.index_cast %add3A_297 : i32 to index
      %get3A_299 = memref.load %arg1[%get3A_298] : memref<1536xi32, #tpu.memory_space<smem>>
      %dma_start3A_300 = arith.constant 0 : i32
      %dma_start3A_301 = tpu.memref_slice %arg3[%add3A_297, %dma_start3A_300] : memref<1536x12288xf32, #tpu.memory_space<any>> -> memref<1x12288xf32, #tpu.memory_space<any>>
      %dma_start3A_302 = arith.constant 0 : i32
      %dma_start3A_303 = tpu.memref_slice %arg2[%get3A_299, %dma_start3A_302] : memref<1000x12288xf32, #tpu.memory_space<any>> -> memref<1x12288xf32, #tpu.memory_space<any>>
      tpu.enqueue_dma source(%dma_start3A_303 : memref<1x12288xf32, #tpu.memory_space<any>>) target(%dma_start3A_301 : memref<1x12288xf32, #tpu.memory_space<any>>) target_semaphore(%arg11 : memref<!tpu.dma_semaphore, #tpu.memory_space<semaphore_mem>>)
      %ge3A_304 = arith.constant 32 : i32
      %ge3A_305 = arith.cmpi sge, %add3A_297, %ge3A_304 : i32
      %convert_element_type3A_306 = arith.extui %ge3A_305 : i1 to i32
      %cond3A_307 = arith.constant 0 : i32
      %cond3A_308 = arith.cmpi ne, %convert_element_type3A_306, %cond3A_307 : i32
      scf.if %cond3A_308 {
        %sub3A = arith.constant 32 : i32
        %sub3A_309 = arith.subi %add3A_297, %sub3A : i32
        %dma_wait3A_310 = arith.constant 0 : i32
        %dma_wait3A_311 = tpu.memref_slice %arg3[%sub3A_309, %dma_wait3A_310] : memref<1536x12288xf32, #tpu.memory_space<any>> -> memref<1x12288xf32, #tpu.memory_space<any>>
        %dma_wait3A_312 = arith.constant 0 : i32
        %dma_wait3A_313 = arith.constant 0 : i32
        %dma_wait3A_314 = tpu.memref_slice %arg2[%dma_wait3A_312, %dma_wait3A_313] : memref<1000x12288xf32, #tpu.memory_space<any>> -> memref<1x12288xf32, #tpu.memory_space<any>>
        tpu.wait_dma2 semaphore(%arg11 : memref<!tpu.dma_semaphore, #tpu.memory_space<semaphore_mem>>) src(%dma_wait3A_314 : memref<1x12288xf32, #tpu.memory_space<any>>) dst(%dma_wait3A_311 : memref<1x12288xf32, #tpu.memory_space<any>>)
      } else {
      }
    }
    %scan3A_3 = arith.constant 192 : i32
    %dma_wait3A = arith.constant 1504 : i32
    %dma_wait3A_4 = arith.constant 0 : i32
    %dma_wait3A_5 = tpu.memref_slice %arg3[%dma_wait3A, %dma_wait3A_4] : memref<1536x12288xf32, #tpu.memory_space<any>> -> memref<1x12288xf32, #tpu.memory_space<any>>
    %dma_wait3A_6 = arith.constant 0 : i32
    %dma_wait3A_7 = arith.constant 0 : i32
    %dma_wait3A_8 = tpu.memref_slice %arg2[%dma_wait3A_6, %dma_wait3A_7] : memref<1000x12288xf32, #tpu.memory_space<any>> -> memref<1x12288xf32, #tpu.memory_space<any>>
    tpu.wait_dma2 semaphore(%arg4 : memref<!tpu.dma_semaphore, #tpu.memory_space<semaphore_mem>>) src(%dma_wait3A_8 : memref<1x12288xf32, #tpu.memory_space<any>>) dst(%dma_wait3A_5 : memref<1x12288xf32, #tpu.memory_space<any>>)
    %dma_wait3A_9 = arith.constant 1505 : i32
    %dma_wait3A_10 = arith.constant 0 : i32
    %dma_wait3A_11 = tpu.memref_slice %arg3[%dma_wait3A_9, %dma_wait3A_10] : memref<1536x12288xf32, #tpu.memory_space<any>> -> memref<1x12288xf32, #tpu.memory_space<any>>
    %dma_wait3A_12 = arith.constant 0 : i32
    %dma_wait3A_13 = arith.constant 0 : i32
    %dma_wait3A_14 = tpu.memref_slice %arg2[%dma_wait3A_12, %dma_wait3A_13] : memref<1000x12288xf32, #tpu.memory_space<any>> -> memref<1x12288xf32, #tpu.memory_space<any>>
    tpu.wait_dma2 semaphore(%arg5 : memref<!tpu.dma_semaphore, #tpu.memory_space<semaphore_mem>>) src(%dma_wait3A_14 : memref<1x12288xf32, #tpu.memory_space<any>>) dst(%dma_wait3A_11 : memref<1x12288xf32, #tpu.memory_space<any>>)
    %dma_wait3A_15 = arith.constant 1506 : i32
    %dma_wait3A_16 = arith.constant 0 : i32
    %dma_wait3A_17 = tpu.memref_slice %arg3[%dma_wait3A_15, %dma_wait3A_16] : memref<1536x12288xf32, #tpu.memory_space<any>> -> memref<1x12288xf32, #tpu.memory_space<any>>
    %dma_wait3A_18 = arith.constant 0 : i32
    %dma_wait3A_19 = arith.constant 0 : i32
    %dma_wait3A_20 = tpu.memref_slice %arg2[%dma_wait3A_18, %dma_wait3A_19] : memref<1000x12288xf32, #tpu.memory_space<any>> -> memref<1x12288xf32, #tpu.memory_space<any>>
    tpu.wait_dma2 semaphore(%arg6 : memref<!tpu.dma_semaphore, #tpu.memory_space<semaphore_mem>>) src(%dma_wait3A_20 : memref<1x12288xf32, #tpu.memory_space<any>>) dst(%dma_wait3A_17 : memref<1x12288xf32, #tpu.memory_space<any>>)
    %dma_wait3A_21 = arith.constant 1507 : i32
    %dma_wait3A_22 = arith.constant 0 : i32
    %dma_wait3A_23 = tpu.memref_slice %arg3[%dma_wait3A_21, %dma_wait3A_22] : memref<1536x12288xf32, #tpu.memory_space<any>> -> memref<1x12288xf32, #tpu.memory_space<any>>
    %dma_wait3A_24 = arith.constant 0 : i32
    %dma_wait3A_25 = arith.constant 0 : i32
    %dma_wait3A_26 = tpu.memref_slice %arg2[%dma_wait3A_24, %dma_wait3A_25] : memref<1000x12288xf32, #tpu.memory_space<any>> -> memref<1x12288xf32, #tpu.memory_space<any>>
    tpu.wait_dma2 semaphore(%arg7 : memref<!tpu.dma_semaphore, #tpu.memory_space<semaphore_mem>>) src(%dma_wait3A_26 : memref<1x12288xf32, #tpu.memory_space<any>>) dst(%dma_wait3A_23 : memref<1x12288xf32, #tpu.memory_space<any>>)
    %dma_wait3A_27 = arith.constant 1508 : i32
    %dma_wait3A_28 = arith.constant 0 : i32
    %dma_wait3A_29 = tpu.memref_slice %arg3[%dma_wait3A_27, %dma_wait3A_28] : memref<1536x12288xf32, #tpu.memory_space<any>> -> memref<1x12288xf32, #tpu.memory_space<any>>
    %dma_wait3A_30 = arith.constant 0 : i32
    %dma_wait3A_31 = arith.constant 0 : i32
    %dma_wait3A_32 = tpu.memref_slice %arg2[%dma_wait3A_30, %dma_wait3A_31] : memref<1000x12288xf32, #tpu.memory_space<any>> -> memref<1x12288xf32, #tpu.memory_space<any>>
    tpu.wait_dma2 semaphore(%arg8 : memref<!tpu.dma_semaphore, #tpu.memory_space<semaphore_mem>>) src(%dma_wait3A_32 : memref<1x12288xf32, #tpu.memory_space<any>>) dst(%dma_wait3A_29 : memref<1x12288xf32, #tpu.memory_space<any>>)
    %dma_wait3A_33 = arith.constant 1509 : i32
    %dma_wait3A_34 = arith.constant 0 : i32
    %dma_wait3A_35 = tpu.memref_slice %arg3[%dma_wait3A_33, %dma_wait3A_34] : memref<1536x12288xf32, #tpu.memory_space<any>> -> memref<1x12288xf32, #tpu.memory_space<any>>
    %dma_wait3A_36 = arith.constant 0 : i32
    %dma_wait3A_37 = arith.constant 0 : i32
    %dma_wait3A_38 = tpu.memref_slice %arg2[%dma_wait3A_36, %dma_wait3A_37] : memref<1000x12288xf32, #tpu.memory_space<any>> -> memref<1x12288xf32, #tpu.memory_space<any>>
    tpu.wait_dma2 semaphore(%arg9 : memref<!tpu.dma_semaphore, #tpu.memory_space<semaphore_mem>>) src(%dma_wait3A_38 : memref<1x12288xf32, #tpu.memory_space<any>>) dst(%dma_wait3A_35 : memref<1x12288xf32, #tpu.memory_space<any>>)
    %dma_wait3A_39 = arith.constant 1510 : i32
    %dma_wait3A_40 = arith.constant 0 : i32
    %dma_wait3A_41 = tpu.memref_slice %arg3[%dma_wait3A_39, %dma_wait3A_40] : memref<1536x12288xf32, #tpu.memory_space<any>> -> memref<1x12288xf32, #tpu.memory_space<any>>
    %dma_wait3A_42 = arith.constant 0 : i32
    %dma_wait3A_43 = arith.constant 0 : i32
    %dma_wait3A_44 = tpu.memref_slice %arg2[%dma_wait3A_42, %dma_wait3A_43] : memref<1000x12288xf32, #tpu.memory_space<any>> -> memref<1x12288xf32, #tpu.memory_space<any>>
    tpu.wait_dma2 semaphore(%arg10 : memref<!tpu.dma_semaphore, #tpu.memory_space<semaphore_mem>>) src(%dma_wait3A_44 : memref<1x12288xf32, #tpu.memory_space<any>>) dst(%dma_wait3A_41 : memref<1x12288xf32, #tpu.memory_space<any>>)
    %dma_wait3A_45 = arith.constant 1511 : i32
    %dma_wait3A_46 = arith.constant 0 : i32
    %dma_wait3A_47 = tpu.memref_slice %arg3[%dma_wait3A_45, %dma_wait3A_46] : memref<1536x12288xf32, #tpu.memory_space<any>> -> memref<1x12288xf32, #tpu.memory_space<any>>
    %dma_wait3A_48 = arith.constant 0 : i32
    %dma_wait3A_49 = arith.constant 0 : i32
    %dma_wait3A_50 = tpu.memref_slice %arg2[%dma_wait3A_48, %dma_wait3A_49] : memref<1000x12288xf32, #tpu.memory_space<any>> -> memref<1x12288xf32, #tpu.memory_space<any>>
    tpu.wait_dma2 semaphore(%arg11 : memref<!tpu.dma_semaphore, #tpu.memory_space<semaphore_mem>>) src(%dma_wait3A_50 : memref<1x12288xf32, #tpu.memory_space<any>>) dst(%dma_wait3A_47 : memref<1x12288xf32, #tpu.memory_space<any>>)
    %dma_wait3A_51 = arith.constant 1512 : i32
    %dma_wait3A_52 = arith.constant 0 : i32
    %dma_wait3A_53 = tpu.memref_slice %arg3[%dma_wait3A_51, %dma_wait3A_52] : memref<1536x12288xf32, #tpu.memory_space<any>> -> memref<1x12288xf32, #tpu.memory_space<any>>
    %dma_wait3A_54 = arith.constant 0 : i32
    %dma_wait3A_55 = arith.constant 0 : i32
    %dma_wait3A_56 = tpu.memref_slice %arg2[%dma_wait3A_54, %dma_wait3A_55] : memref<1000x12288xf32, #tpu.memory_space<any>> -> memref<1x12288xf32, #tpu.memory_space<any>>
    tpu.wait_dma2 semaphore(%arg4 : memref<!tpu.dma_semaphore, #tpu.memory_space<semaphore_mem>>) src(%dma_wait3A_56 : memref<1x12288xf32, #tpu.memory_space<any>>) dst(%dma_wait3A_53 : memref<1x12288xf32, #tpu.memory_space<any>>)
    %dma_wait3A_57 = arith.constant 1513 : i32
    %dma_wait3A_58 = arith.constant 0 : i32
    %dma_wait3A_59 = tpu.memref_slice %arg3[%dma_wait3A_57, %dma_wait3A_58] : memref<1536x12288xf32, #tpu.memory_space<any>> -> memref<1x12288xf32, #tpu.memory_space<any>>
    %dma_wait3A_60 = arith.constant 0 : i32
    %dma_wait3A_61 = arith.constant 0 : i32
    %dma_wait3A_62 = tpu.memref_slice %arg2[%dma_wait3A_60, %dma_wait3A_61] : memref<1000x12288xf32, #tpu.memory_space<any>> -> memref<1x12288xf32, #tpu.memory_space<any>>
    tpu.wait_dma2 semaphore(%arg5 : memref<!tpu.dma_semaphore, #tpu.memory_space<semaphore_mem>>) src(%dma_wait3A_62 : memref<1x12288xf32, #tpu.memory_space<any>>) dst(%dma_wait3A_59 : memref<1x12288xf32, #tpu.memory_space<any>>)
    %dma_wait3A_63 = arith.constant 1514 : i32
    %dma_wait3A_64 = arith.constant 0 : i32
    %dma_wait3A_65 = tpu.memref_slice %arg3[%dma_wait3A_63, %dma_wait3A_64] : memref<1536x12288xf32, #tpu.memory_space<any>> -> memref<1x12288xf32, #tpu.memory_space<any>>
    %dma_wait3A_66 = arith.constant 0 : i32
    %dma_wait3A_67 = arith.constant 0 : i32
    %dma_wait3A_68 = tpu.memref_slice %arg2[%dma_wait3A_66, %dma_wait3A_67] : memref<1000x12288xf32, #tpu.memory_space<any>> -> memref<1x12288xf32, #tpu.memory_space<any>>
    tpu.wait_dma2 semaphore(%arg6 : memref<!tpu.dma_semaphore, #tpu.memory_space<semaphore_mem>>) src(%dma_wait3A_68 : memref<1x12288xf32, #tpu.memory_space<any>>) dst(%dma_wait3A_65 : memref<1x12288xf32, #tpu.memory_space<any>>)
    %dma_wait3A_69 = arith.constant 1515 : i32
    %dma_wait3A_70 = arith.constant 0 : i32
    %dma_wait3A_71 = tpu.memref_slice %arg3[%dma_wait3A_69, %dma_wait3A_70] : memref<1536x12288xf32, #tpu.memory_space<any>> -> memref<1x12288xf32, #tpu.memory_space<any>>
    %dma_wait3A_72 = arith.constant 0 : i32
    %dma_wait3A_73 = arith.constant 0 : i32
    %dma_wait3A_74 = tpu.memref_slice %arg2[%dma_wait3A_72, %dma_wait3A_73] : memref<1000x12288xf32, #tpu.memory_space<any>> -> memref<1x12288xf32, #tpu.memory_space<any>>
    tpu.wait_dma2 semaphore(%arg7 : memref<!tpu.dma_semaphore, #tpu.memory_space<semaphore_mem>>) src(%dma_wait3A_74 : memref<1x12288xf32, #tpu.memory_space<any>>) dst(%dma_wait3A_71 : memref<1x12288xf32, #tpu.memory_space<any>>)
    %dma_wait3A_75 = arith.constant 1516 : i32
    %dma_wait3A_76 = arith.constant 0 : i32
    %dma_wait3A_77 = tpu.memref_slice %arg3[%dma_wait3A_75, %dma_wait3A_76] : memref<1536x12288xf32, #tpu.memory_space<any>> -> memref<1x12288xf32, #tpu.memory_space<any>>
    %dma_wait3A_78 = arith.constant 0 : i32
    %dma_wait3A_79 = arith.constant 0 : i32
    %dma_wait3A_80 = tpu.memref_slice %arg2[%dma_wait3A_78, %dma_wait3A_79] : memref<1000x12288xf32, #tpu.memory_space<any>> -> memref<1x12288xf32, #tpu.memory_space<any>>
    tpu.wait_dma2 semaphore(%arg8 : memref<!tpu.dma_semaphore, #tpu.memory_space<semaphore_mem>>) src(%dma_wait3A_80 : memref<1x12288xf32, #tpu.memory_space<any>>) dst(%dma_wait3A_77 : memref<1x12288xf32, #tpu.memory_space<any>>)
    %dma_wait3A_81 = arith.constant 1517 : i32
    %dma_wait3A_82 = arith.constant 0 : i32
    %dma_wait3A_83 = tpu.memref_slice %arg3[%dma_wait3A_81, %dma_wait3A_82] : memref<1536x12288xf32, #tpu.memory_space<any>> -> memref<1x12288xf32, #tpu.memory_space<any>>
    %dma_wait3A_84 = arith.constant 0 : i32
    %dma_wait3A_85 = arith.constant 0 : i32
    %dma_wait3A_86 = tpu.memref_slice %arg2[%dma_wait3A_84, %dma_wait3A_85] : memref<1000x12288xf32, #tpu.memory_space<any>> -> memref<1x12288xf32, #tpu.memory_space<any>>
    tpu.wait_dma2 semaphore(%arg9 : memref<!tpu.dma_semaphore, #tpu.memory_space<semaphore_mem>>) src(%dma_wait3A_86 : memref<1x12288xf32, #tpu.memory_space<any>>) dst(%dma_wait3A_83 : memref<1x12288xf32, #tpu.memory_space<any>>)
    %dma_wait3A_87 = arith.constant 1518 : i32
    %dma_wait3A_88 = arith.constant 0 : i32
    %dma_wait3A_89 = tpu.memref_slice %arg3[%dma_wait3A_87, %dma_wait3A_88] : memref<1536x12288xf32, #tpu.memory_space<any>> -> memref<1x12288xf32, #tpu.memory_space<any>>
    %dma_wait3A_90 = arith.constant 0 : i32
    %dma_wait3A_91 = arith.constant 0 : i32
    %dma_wait3A_92 = tpu.memref_slice %arg2[%dma_wait3A_90, %dma_wait3A_91] : memref<1000x12288xf32, #tpu.memory_space<any>> -> memref<1x12288xf32, #tpu.memory_space<any>>
    tpu.wait_dma2 semaphore(%arg10 : memref<!tpu.dma_semaphore, #tpu.memory_space<semaphore_mem>>) src(%dma_wait3A_92 : memref<1x12288xf32, #tpu.memory_space<any>>) dst(%dma_wait3A_89 : memref<1x12288xf32, #tpu.memory_space<any>>)
    %dma_wait3A_93 = arith.constant 1519 : i32
    %dma_wait3A_94 = arith.constant 0 : i32
    %dma_wait3A_95 = tpu.memref_slice %arg3[%dma_wait3A_93, %dma_wait3A_94] : memref<1536x12288xf32, #tpu.memory_space<any>> -> memref<1x12288xf32, #tpu.memory_space<any>>
    %dma_wait3A_96 = arith.constant 0 : i32
    %dma_wait3A_97 = arith.constant 0 : i32
    %dma_wait3A_98 = tpu.memref_slice %arg2[%dma_wait3A_96, %dma_wait3A_97] : memref<1000x12288xf32, #tpu.memory_space<any>> -> memref<1x12288xf32, #tpu.memory_space<any>>
    tpu.wait_dma2 semaphore(%arg11 : memref<!tpu.dma_semaphore, #tpu.memory_space<semaphore_mem>>) src(%dma_wait3A_98 : memref<1x12288xf32, #tpu.memory_space<any>>) dst(%dma_wait3A_95 : memref<1x12288xf32, #tpu.memory_space<any>>)
    %dma_wait3A_99 = arith.constant 1520 : i32
    %dma_wait3A_100 = arith.constant 0 : i32
    %dma_wait3A_101 = tpu.memref_slice %arg3[%dma_wait3A_99, %dma_wait3A_100] : memref<1536x12288xf32, #tpu.memory_space<any>> -> memref<1x12288xf32, #tpu.memory_space<any>>
    %dma_wait3A_102 = arith.constant 0 : i32
    %dma_wait3A_103 = arith.constant 0 : i32
    %dma_wait3A_104 = tpu.memref_slice %arg2[%dma_wait3A_102, %dma_wait3A_103] : memref<1000x12288xf32, #tpu.memory_space<any>> -> memref<1x12288xf32, #tpu.memory_space<any>>
    tpu.wait_dma2 semaphore(%arg4 : memref<!tpu.dma_semaphore, #tpu.memory_space<semaphore_mem>>) src(%dma_wait3A_104 : memref<1x12288xf32, #tpu.memory_space<any>>) dst(%dma_wait3A_101 : memref<1x12288xf32, #tpu.memory_space<any>>)
    %dma_wait3A_105 = arith.constant 1521 : i32
    %dma_wait3A_106 = arith.constant 0 : i32
    %dma_wait3A_107 = tpu.memref_slice %arg3[%dma_wait3A_105, %dma_wait3A_106] : memref<1536x12288xf32, #tpu.memory_space<any>> -> memref<1x12288xf32, #tpu.memory_space<any>>
    %dma_wait3A_108 = arith.constant 0 : i32
    %dma_wait3A_109 = arith.constant 0 : i32
    %dma_wait3A_110 = tpu.memref_slice %arg2[%dma_wait3A_108, %dma_wait3A_109] : memref<1000x12288xf32, #tpu.memory_space<any>> -> memref<1x12288xf32, #tpu.memory_space<any>>
    tpu.wait_dma2 semaphore(%arg5 : memref<!tpu.dma_semaphore, #tpu.memory_space<semaphore_mem>>) src(%dma_wait3A_110 : memref<1x12288xf32, #tpu.memory_space<any>>) dst(%dma_wait3A_107 : memref<1x12288xf32, #tpu.memory_space<any>>)
    %dma_wait3A_111 = arith.constant 1522 : i32
    %dma_wait3A_112 = arith.constant 0 : i32
    %dma_wait3A_113 = tpu.memref_slice %arg3[%dma_wait3A_111, %dma_wait3A_112] : memref<1536x12288xf32, #tpu.memory_space<any>> -> memref<1x12288xf32, #tpu.memory_space<any>>
    %dma_wait3A_114 = arith.constant 0 : i32
    %dma_wait3A_115 = arith.constant 0 : i32
    %dma_wait3A_116 = tpu.memref_slice %arg2[%dma_wait3A_114, %dma_wait3A_115] : memref<1000x12288xf32, #tpu.memory_space<any>> -> memref<1x12288xf32, #tpu.memory_space<any>>
    tpu.wait_dma2 semaphore(%arg6 : memref<!tpu.dma_semaphore, #tpu.memory_space<semaphore_mem>>) src(%dma_wait3A_116 : memref<1x12288xf32, #tpu.memory_space<any>>) dst(%dma_wait3A_113 : memref<1x12288xf32, #tpu.memory_space<any>>)
    %dma_wait3A_117 = arith.constant 1523 : i32
    %dma_wait3A_118 = arith.constant 0 : i32
    %dma_wait3A_119 = tpu.memref_slice %arg3[%dma_wait3A_117, %dma_wait3A_118] : memref<1536x12288xf32, #tpu.memory_space<any>> -> memref<1x12288xf32, #tpu.memory_space<any>>
    %dma_wait3A_120 = arith.constant 0 : i32
    %dma_wait3A_121 = arith.constant 0 : i32
    %dma_wait3A_122 = tpu.memref_slice %arg2[%dma_wait3A_120, %dma_wait3A_121] : memref<1000x12288xf32, #tpu.memory_space<any>> -> memref<1x12288xf32, #tpu.memory_space<any>>
    tpu.wait_dma2 semaphore(%arg7 : memref<!tpu.dma_semaphore, #tpu.memory_space<semaphore_mem>>) src(%dma_wait3A_122 : memref<1x12288xf32, #tpu.memory_space<any>>) dst(%dma_wait3A_119 : memref<1x12288xf32, #tpu.memory_space<any>>)
    %dma_wait3A_123 = arith.constant 1524 : i32
    %dma_wait3A_124 = arith.constant 0 : i32
    %dma_wait3A_125 = tpu.memref_slice %arg3[%dma_wait3A_123, %dma_wait3A_124] : memref<1536x12288xf32, #tpu.memory_space<any>> -> memref<1x12288xf32, #tpu.memory_space<any>>
    %dma_wait3A_126 = arith.constant 0 : i32
    %dma_wait3A_127 = arith.constant 0 : i32
    %dma_wait3A_128 = tpu.memref_slice %arg2[%dma_wait3A_126, %dma_wait3A_127] : memref<1000x12288xf32, #tpu.memory_space<any>> -> memref<1x12288xf32, #tpu.memory_space<any>>
    tpu.wait_dma2 semaphore(%arg8 : memref<!tpu.dma_semaphore, #tpu.memory_space<semaphore_mem>>) src(%dma_wait3A_128 : memref<1x12288xf32, #tpu.memory_space<any>>) dst(%dma_wait3A_125 : memref<1x12288xf32, #tpu.memory_space<any>>)
    %dma_wait3A_129 = arith.constant 1525 : i32
    %dma_wait3A_130 = arith.constant 0 : i32
    %dma_wait3A_131 = tpu.memref_slice %arg3[%dma_wait3A_129, %dma_wait3A_130] : memref<1536x12288xf32, #tpu.memory_space<any>> -> memref<1x12288xf32, #tpu.memory_space<any>>
    %dma_wait3A_132 = arith.constant 0 : i32
    %dma_wait3A_133 = arith.constant 0 : i32
    %dma_wait3A_134 = tpu.memref_slice %arg2[%dma_wait3A_132, %dma_wait3A_133] : memref<1000x12288xf32, #tpu.memory_space<any>> -> memref<1x12288xf32, #tpu.memory_space<any>>
    tpu.wait_dma2 semaphore(%arg9 : memref<!tpu.dma_semaphore, #tpu.memory_space<semaphore_mem>>) src(%dma_wait3A_134 : memref<1x12288xf32, #tpu.memory_space<any>>) dst(%dma_wait3A_131 : memref<1x12288xf32, #tpu.memory_space<any>>)
    %dma_wait3A_135 = arith.constant 1526 : i32
    %dma_wait3A_136 = arith.constant 0 : i32
    %dma_wait3A_137 = tpu.memref_slice %arg3[%dma_wait3A_135, %dma_wait3A_136] : memref<1536x12288xf32, #tpu.memory_space<any>> -> memref<1x12288xf32, #tpu.memory_space<any>>
    %dma_wait3A_138 = arith.constant 0 : i32
    %dma_wait3A_139 = arith.constant 0 : i32
    %dma_wait3A_140 = tpu.memref_slice %arg2[%dma_wait3A_138, %dma_wait3A_139] : memref<1000x12288xf32, #tpu.memory_space<any>> -> memref<1x12288xf32, #tpu.memory_space<any>>
    tpu.wait_dma2 semaphore(%arg10 : memref<!tpu.dma_semaphore, #tpu.memory_space<semaphore_mem>>) src(%dma_wait3A_140 : memref<1x12288xf32, #tpu.memory_space<any>>) dst(%dma_wait3A_137 : memref<1x12288xf32, #tpu.memory_space<any>>)
    %dma_wait3A_141 = arith.constant 1527 : i32
    %dma_wait3A_142 = arith.constant 0 : i32
    %dma_wait3A_143 = tpu.memref_slice %arg3[%dma_wait3A_141, %dma_wait3A_142] : memref<1536x12288xf32, #tpu.memory_space<any>> -> memref<1x12288xf32, #tpu.memory_space<any>>
    %dma_wait3A_144 = arith.constant 0 : i32
    %dma_wait3A_145 = arith.constant 0 : i32
    %dma_wait3A_146 = tpu.memref_slice %arg2[%dma_wait3A_144, %dma_wait3A_145] : memref<1000x12288xf32, #tpu.memory_space<any>> -> memref<1x12288xf32, #tpu.memory_space<any>>
    tpu.wait_dma2 semaphore(%arg11 : memref<!tpu.dma_semaphore, #tpu.memory_space<semaphore_mem>>) src(%dma_wait3A_146 : memref<1x12288xf32, #tpu.memory_space<any>>) dst(%dma_wait3A_143 : memref<1x12288xf32, #tpu.memory_space<any>>)
    %dma_wait3A_147 = arith.constant 1528 : i32
    %dma_wait3A_148 = arith.constant 0 : i32
    %dma_wait3A_149 = tpu.memref_slice %arg3[%dma_wait3A_147, %dma_wait3A_148] : memref<1536x12288xf32, #tpu.memory_space<any>> -> memref<1x12288xf32, #tpu.memory_space<any>>
    %dma_wait3A_150 = arith.constant 0 : i32
    %dma_wait3A_151 = arith.constant 0 : i32
    %dma_wait3A_152 = tpu.memref_slice %arg2[%dma_wait3A_150, %dma_wait3A_151] : memref<1000x12288xf32, #tpu.memory_space<any>> -> memref<1x12288xf32, #tpu.memory_space<any>>
    tpu.wait_dma2 semaphore(%arg4 : memref<!tpu.dma_semaphore, #tpu.memory_space<semaphore_mem>>) src(%dma_wait3A_152 : memref<1x12288xf32, #tpu.memory_space<any>>) dst(%dma_wait3A_149 : memref<1x12288xf32, #tpu.memory_space<any>>)
    %dma_wait3A_153 = arith.constant 1529 : i32
    %dma_wait3A_154 = arith.constant 0 : i32
    %dma_wait3A_155 = tpu.memref_slice %arg3[%dma_wait3A_153, %dma_wait3A_154] : memref<1536x12288xf32, #tpu.memory_space<any>> -> memref<1x12288xf32, #tpu.memory_space<any>>
    %dma_wait3A_156 = arith.constant 0 : i32
    %dma_wait3A_157 = arith.constant 0 : i32
    %dma_wait3A_158 = tpu.memref_slice %arg2[%dma_wait3A_156, %dma_wait3A_157] : memref<1000x12288xf32, #tpu.memory_space<any>> -> memref<1x12288xf32, #tpu.memory_space<any>>
    tpu.wait_dma2 semaphore(%arg5 : memref<!tpu.dma_semaphore, #tpu.memory_space<semaphore_mem>>) src(%dma_wait3A_158 : memref<1x12288xf32, #tpu.memory_space<any>>) dst(%dma_wait3A_155 : memref<1x12288xf32, #tpu.memory_space<any>>)
    %dma_wait3A_159 = arith.constant 1530 : i32
    %dma_wait3A_160 = arith.constant 0 : i32
    %dma_wait3A_161 = tpu.memref_slice %arg3[%dma_wait3A_159, %dma_wait3A_160] : memref<1536x12288xf32, #tpu.memory_space<any>> -> memref<1x12288xf32, #tpu.memory_space<any>>
    %dma_wait3A_162 = arith.constant 0 : i32
    %dma_wait3A_163 = arith.constant 0 : i32
    %dma_wait3A_164 = tpu.memref_slice %arg2[%dma_wait3A_162, %dma_wait3A_163] : memref<1000x12288xf32, #tpu.memory_space<any>> -> memref<1x12288xf32, #tpu.memory_space<any>>
    tpu.wait_dma2 semaphore(%arg6 : memref<!tpu.dma_semaphore, #tpu.memory_space<semaphore_mem>>) src(%dma_wait3A_164 : memref<1x12288xf32, #tpu.memory_space<any>>) dst(%dma_wait3A_161 : memref<1x12288xf32, #tpu.memory_space<any>>)
    %dma_wait3A_165 = arith.constant 1531 : i32
    %dma_wait3A_166 = arith.constant 0 : i32
    %dma_wait3A_167 = tpu.memref_slice %arg3[%dma_wait3A_165, %dma_wait3A_166] : memref<1536x12288xf32, #tpu.memory_space<any>> -> memref<1x12288xf32, #tpu.memory_space<any>>
    %dma_wait3A_168 = arith.constant 0 : i32
    %dma_wait3A_169 = arith.constant 0 : i32
    %dma_wait3A_170 = tpu.memref_slice %arg2[%dma_wait3A_168, %dma_wait3A_169] : memref<1000x12288xf32, #tpu.memory_space<any>> -> memref<1x12288xf32, #tpu.memory_space<any>>
    tpu.wait_dma2 semaphore(%arg7 : memref<!tpu.dma_semaphore, #tpu.memory_space<semaphore_mem>>) src(%dma_wait3A_170 : memref<1x12288xf32, #tpu.memory_space<any>>) dst(%dma_wait3A_167 : memref<1x12288xf32, #tpu.memory_space<any>>)
    %dma_wait3A_171 = arith.constant 1532 : i32
    %dma_wait3A_172 = arith.constant 0 : i32
    %dma_wait3A_173 = tpu.memref_slice %arg3[%dma_wait3A_171, %dma_wait3A_172] : memref<1536x12288xf32, #tpu.memory_space<any>> -> memref<1x12288xf32, #tpu.memory_space<any>>
    %dma_wait3A_174 = arith.constant 0 : i32
    %dma_wait3A_175 = arith.constant 0 : i32
    %dma_wait3A_176 = tpu.memref_slice %arg2[%dma_wait3A_174, %dma_wait3A_175] : memref<1000x12288xf32, #tpu.memory_space<any>> -> memref<1x12288xf32, #tpu.memory_space<any>>
    tpu.wait_dma2 semaphore(%arg8 : memref<!tpu.dma_semaphore, #tpu.memory_space<semaphore_mem>>) src(%dma_wait3A_176 : memref<1x12288xf32, #tpu.memory_space<any>>) dst(%dma_wait3A_173 : memref<1x12288xf32, #tpu.memory_space<any>>)
    %dma_wait3A_177 = arith.constant 1533 : i32
    %dma_wait3A_178 = arith.constant 0 : i32
    %dma_wait3A_179 = tpu.memref_slice %arg3[%dma_wait3A_177, %dma_wait3A_178] : memref<1536x12288xf32, #tpu.memory_space<any>> -> memref<1x12288xf32, #tpu.memory_space<any>>
    %dma_wait3A_180 = arith.constant 0 : i32
    %dma_wait3A_181 = arith.constant 0 : i32
    %dma_wait3A_182 = tpu.memref_slice %arg2[%dma_wait3A_180, %dma_wait3A_181] : memref<1000x12288xf32, #tpu.memory_space<any>> -> memref<1x12288xf32, #tpu.memory_space<any>>
    tpu.wait_dma2 semaphore(%arg9 : memref<!tpu.dma_semaphore, #tpu.memory_space<semaphore_mem>>) src(%dma_wait3A_182 : memref<1x12288xf32, #tpu.memory_space<any>>) dst(%dma_wait3A_179 : memref<1x12288xf32, #tpu.memory_space<any>>)
    %dma_wait3A_183 = arith.constant 1534 : i32
    %dma_wait3A_184 = arith.constant 0 : i32
    %dma_wait3A_185 = tpu.memref_slice %arg3[%dma_wait3A_183, %dma_wait3A_184] : memref<1536x12288xf32, #tpu.memory_space<any>> -> memref<1x12288xf32, #tpu.memory_space<any>>
    %dma_wait3A_186 = arith.constant 0 : i32
    %dma_wait3A_187 = arith.constant 0 : i32
    %dma_wait3A_188 = tpu.memref_slice %arg2[%dma_wait3A_186, %dma_wait3A_187] : memref<1000x12288xf32, #tpu.memory_space<any>> -> memref<1x12288xf32, #tpu.memory_space<any>>
    tpu.wait_dma2 semaphore(%arg10 : memref<!tpu.dma_semaphore, #tpu.memory_space<semaphore_mem>>) src(%dma_wait3A_188 : memref<1x12288xf32, #tpu.memory_space<any>>) dst(%dma_wait3A_185 : memref<1x12288xf32, #tpu.memory_space<any>>)
    %dma_wait3A_189 = arith.constant 1535 : i32
    %dma_wait3A_190 = arith.constant 0 : i32
    %dma_wait3A_191 = tpu.memref_slice %arg3[%dma_wait3A_189, %dma_wait3A_190] : memref<1536x12288xf32, #tpu.memory_space<any>> -> memref<1x12288xf32, #tpu.memory_space<any>>
    %dma_wait3A_192 = arith.constant 0 : i32
    %dma_wait3A_193 = arith.constant 0 : i32
    %dma_wait3A_194 = tpu.memref_slice %arg2[%dma_wait3A_192, %dma_wait3A_193] : memref<1000x12288xf32, #tpu.memory_space<any>> -> memref<1x12288xf32, #tpu.memory_space<any>>
    tpu.wait_dma2 semaphore(%arg11 : memref<!tpu.dma_semaphore, #tpu.memory_space<semaphore_mem>>) src(%dma_wait3A_194 : memref<1x12288xf32, #tpu.memory_space<any>>) dst(%dma_wait3A_191 : memref<1x12288xf32, #tpu.memory_space<any>>)
    return
  }
}

</mosaic_0001>

<sc_bundles>
// kernel: kernel.4.cloned.1.call-start
scs
__scs_entry_jumppad:
0x0: {  	(pc) =	sbr.rel $0x88, $3  }
0x1: {  	(tag) =	ssettag $0x0;
	lr =	simm.s32 $0x1  }
0x2: {  	[smem:$0x3F9F] =	sst lr;
	_ =	strace $0xD0000000  }
0x3: {  	_ = 	snop  }
0x4: {  	_ = 	snop  }
0x5: {  	_ = 	snop  }
0x6: {  	_ = 	snop  }
0x7: {  	_ = 	snop  }
__scs_overlays_trampoline_lowered:
0x8: {  	[smem:$0x3FAE] =	sst s0  }
0x9: {  	[smem:$0x3FAF] =	sst s1  }
0xa: {  	[smem:$0x3FB0] =	sst s2  }
0xb: {  	[smem:$0x3FB1] =	sst s3  }
0xc: {  	[smem:$0x3FB2] =	sst s4  }
0xd: {  	[smem:$0x3FB3] =	sst s5  }
0xe: {  	[smem:$0x3FB4] =	sst s6  }
0xf: {  	[smem:$0x3FB5] =	sst s7  }
0x10: {  	[smem:$0x3FB6] =	sst s8  }
0x11: {  	[smem:$0x3FB7] =	sst s9;
	s0 =	simm.s32 @!p0 $0x0  }
0x12: {  	s1 =	sld [smem:$0x3F9D];
	s0 =	simm.s32 @p0 $0x1  }
0x13: {  	[smem:$0x3FB8] =	sst s0;
	s0 =	simm.s32 @!p1 $0x0  }
0x14: {  	s2 =	sld [smem:$0x3F9C];
	s0 =	simm.s32 @p1 $0x1  }
0x15: {  	[smem:$0x3FB9] =	sst s0;
	s0 =	simm.s32 @!p2 $0x0  }
0x16: {  	s3 =	sld [smem:$0x3FDB];
	s0 =	simm.s32 @p2 $0x1  }
0x17: {  	s4 =	simm.s32 $0x1BF5;
	[smem:$0x3FBB] =	sst s0  }
0x18: {  	s0 =	sld [smem:$0x3F9E];
	_ =	swait.ge [sflag:s4], $0x0  }
0x19: {  	s7 =	sld [smem:$0x3F9F]  }
0x1a: {  	s8 =	sadd.s32 $0xFFFFE003, lr  }
0x1b: {  	s9 =	sadd.s32 $0xFFFFFEF7, lr;
	s5 =	simm.s32 $0xFFFFFFFF;
	p2 =	slt.u32 s8, $0xFFFFF086  }
0x1c: {  	p1 =	slt.u32 s9, $0xF7A;
	s5 =	simm.s32 @!p2 $0x0  }
0x1d: {  	s5 =	simm.s32 @p1 $0x1;
	p0 =	seq.s32 s7, s2  }
0x1e: {  	s7 =	smul.u32 @!p0 $0xF7A, s2;
	p2 =	seq.s32 @!p0 s5, $0x0  }
0x1f: {  	s9 =	smul.u32 $0xF7A, s1;
	s8 =	simm.s32 @!p0 $0x1BF5;
	p2 =	por !p2, p0  }
0x20: {  	[sflag:s8] =	ssyncset.s32 @!p0 $0xFFFFF086;
	s6 =	sadd.s32 @!p0 s3, s7;
	s7 =	simm.s32 @!p0 $0x108  }
0x21: {  	s3 =	sadd.s32 s3, s9;
	s6 =	sadd.s32 @!p0 $0x88, s6;
	s7 =	simm.s32 @p2 $0x1082  }
0x22: {  	[simem:s7], [sflag:s8] =	dma.local @!p0 [hbm:s6], $0xF7A  }
0x23: {  	s9 =	sor.u32 $0xD0000000, s2;
	s6 =	simm.s32 $0x108;
	_ =	swait.ge @!p0 [sflag:s8], $0x0  }
0x24: {  	s3 =	sadd.s32 $0x88, s3;
	s6 =	simm.s32 @!p1 $0x1082;
	[sflag:s4] =	ssyncset.s32 $0xFFFFF086  }
0x25: {  	[simem:s6], [sflag:s4] =	dma.local [hbm:s3], $0xF7A  }
0x26: {  	[smem:$0x3F9F] =	sst s1;
	(tag) =	ssettag s2;
	_ =	strace s9  }
0x27: {  	s1 =	sld [smem:$0x3FAF]  }
0x28: {  	s2 =	sld [smem:$0x3FB0]  }
0x29: {  	s4 =	sld [smem:$0x3FB2]  }
0x2a: {  	p0 =	seq.s32 s5, $0x0;
	s5 =	sld [smem:$0x3FB3]  }
0x2b: {  	s6 =	sld [smem:$0x3FB4]  }
0x2c: {  	s7 =	sld [smem:$0x3FB5]  }
0x2d: {  	s3 =	simm.s32 $0x108;
	s8 =	sld [smem:$0x3FB6]  }
0x2e: {  	s3 =	simm.s32 @!p0 $0x1082;
	s9 =	sld [smem:$0x3FB7]  }
0x2f: {  	lr =	sadd.s32 s0, s3;
	s0 =	sld [smem:$0x3FAE]  }
0x30: {  	s3 =	sld [smem:$0x3FB1]  }
0x31: {  	[smem:$0x3FBA] =	sst s10  }
0x32: {  	s10 =	sld [smem:$0x3FB8];
	_ =	sdelay $0x3  }
0x33: {  	p0 =	seq.s32 s10, $0x1;
	s10 =	sld [smem:$0x3FBA];
	_ =	sdelay $0x3  }
0x34: {  	[smem:$0x3FBA] =	sst s10  }
0x35: {  	s10 =	sld [smem:$0x3FB9];
	_ =	sdelay $0x3  }
0x36: {  	p1 =	seq.s32 s10, $0x1;
	s10 =	sld [smem:$0x3FBA];
	_ =	sdelay $0x3  }
0x37: {  	[smem:$0x3FBA] =	sst s10  }
0x38: {  	s10 =	sld [smem:$0x3FBB]  }
0x39: {  	_ = 	snop;
	(pc) =	sbr.ind lr, $3  }
0x3a: {  	_ = 	snop  }
0x3b: {  	_ = 	snop  }
0x3c: {  	p2 =	seq.s32 s10, $0x1;
	s10 =	sld [smem:$0x3FBA]  }
0x3d: {  	_ =	shalt  }
0x3e: {  	_ =	shalt  }
0x3f: {  	_ =	shalt  }
0x40: {  	_ =	shalt  }
0x41: {  	_ =	shalt  }
0x42: {  	_ =	shalt  }
0x43: {  	_ =	shalt  }
0x44: {  	_ =	shalt  }
0x45: {  	_ =	shalt  }
0x46: {  	_ =	shalt  }
0x47: {  	_ =	shalt  }
0x48: {  	_ =	shalt  }
0x49: {  	_ =	shalt  }
0x4a: {  	_ =	shalt  }
0x4b: {  	_ =	shalt  }
0x4c: {  	_ =	shalt  }
0x4d: {  	_ =	shalt  }
0x4e: {  	_ =	shalt  }
0x4f: {  	_ =	shalt  }
0x50: {  	_ =	shalt  }
0x51: {  	_ =	shalt  }
0x52: {  	_ =	shalt  }
0x53: {  	_ =	shalt  }
0x54: {  	_ =	shalt  }
0x55: {  	_ =	shalt  }
0x56: {  	_ =	shalt  }
0x57: {  	_ =	shalt  }
0x58: {  	_ =	shalt  }
0x59: {  	_ =	shalt  }
0x5a: {  	_ =	shalt  }
0x5b: {  	_ =	shalt  }
0x5c: {  	_ =	shalt  }
0x5d: {  	_ =	shalt  }
0x5e: {  	_ =	shalt  }
0x5f: {  	_ =	shalt  }
0x60: {  	_ =	shalt  }
0x61: {  	_ =	shalt  }
0x62: {  	_ =	shalt  }
0x63: {  	_ =	shalt  }
0x64: {  	_ =	shalt  }
0x65: {  	_ =	shalt  }
0x66: {  	_ =	shalt  }
0x67: {  	_ =	shalt  }
0x68: {  	_ =	shalt  }
0x69: {  	_ =	shalt  }
0x6a: {  	_ =	shalt  }
0x6b: {  	_ =	shalt  }
0x6c: {  	_ =	shalt  }
0x6d: {  	_ =	shalt  }
0x6e: {  	_ =	shalt  }
0x6f: {  	_ =	shalt  }
0x70: {  	_ =	shalt  }
0x71: {  	_ =	shalt  }
0x72: {  	_ =	shalt  }
0x73: {  	_ =	shalt  }
0x74: {  	_ =	shalt  }
0x75: {  	_ =	shalt  }
0x76: {  	_ =	shalt  }
0x77: {  	_ =	shalt  }
0x78: {  	_ =	shalt  }
0x79: {  	_ =	shalt  }
0x7a: {  	_ =	shalt  }
0x7b: {  	_ =	shalt  }
0x7c: {  	_ =	shalt  }
0x7d: {  	_ =	shalt  }
0x7e: {  	_ =	shalt  }
0x7f: {  	_ =	shalt  }
0x80: {  	_ =	shalt  }
0x81: {  	_ =	shalt  }
0x82: {  	_ =	shalt  }
0x83: {  	_ =	shalt  }
0x84: {  	_ =	shalt  }
0x85: {  	_ =	shalt  }
0x86: {  	_ =	shalt  }
0x87: {  	_ =	shalt  }
.Lfunc_end0:
.L_simem_size_0:
called_computation.1_lowered:
.L_overlay_start_0:
0x88: {  	s2 =	sld [smem:$0x3FD9]  }
0x89: {  	s3 =	sld [smem:$0x3FFE];
	_ =	sdelay $0x1  }
0x8a: {  	s1 =	srdreg.scid  }
0x8b: {  	s0 =	sand.u32 $0x1, s1  }
0x8c: {  	s17 =	sshll.u32 s0, $0xA;
	s2 =	sadd.s32 s3, s2  }
0x8d: {  	s2 =	sadd.s32 s2, s17  }
0x8e: {  	[smem:$0x3FC6] =	sst s2  }
0x8f: {  	_ = 	snop  }
0x90: {  	s2 =	sld [smem:$0x3FD0];
	(tm) =	ssettm $0x1  }
0x91: {  	s18 =	sld [smem:$0x3FFB];
	_ =	sdelay $0x3  }
0x92: {  	_ =	strace s18  }
0x93: {  	s3 =	sld [smem:$0x3FFC];
	_ =	sdelay $0x3  }
0x94: {  	_ =	strace s3  }
0x95: {  	s3 =	sld [smem:$0x3FFD];
	_ =	sdelay $0x3  }
0x96: {  	_ =	strace s3  }
0x97: {  	_ =	strace $0x8FFFFFFF  }
0x98: {  	s19 =	sld [smem:$0x3FDB];
	_ =	sdelay $0x1  }
0x99: {  	s4 =	simm.s32 $_scs_section_size  }
0x9a: {  	s5 =	simm.s32 $_size__tile_overlayer_lowered;
	s6 =	simm.s32 $_tile_overlayer_lowered  }
0x9b: {  	s22 =	simm.s32 $0x1BFF;
	s21 =	sshll.u32 s6, $0x1;
	s3 =	sadd.s32 s4, s19  }
0x9c: {  	s7 =	simm.s32 $0x0;
	s20 =	sshll.u32 s5, $0x1;
	s5 =	sadd.s32 s21, s3  }
0x9d: {  	[timem:s7], [sflag:s22] =	dma.local [hbm:s5], s20  }
0x9e: {  	_ =	swait.ge [sflag:s22], s20  }
0x9f: {  	s4 =	ssub.s32 $0x0, s20;
	[sflag:s22] =	ssyncset.done $0x0  }
0xa0: {  	[sflag:s22] =	ssyncadd.s32 s4;
	_ =	sdelay $0x1  }
0xa1: {  	s23 =	simm.s32 $0x1B8B  }
0xa2: {  	_ =	swait.ge [sflag:s23], $0x1  }
0xa3: {  	[sflag:s23] =	ssyncset.done $0x0  }
0xa4: {  	s25 =	simm.s32 $0x1B8E;
	s24 =	sld [smem:$0x3FFE];
	[sflag:s23] =	ssyncadd.s32 $0xFFFFFFFF  }
0xa5: {  	s26 =	simm.s32 $execute0_lowered;
	[smem:$0x3FD2] =	sst s25  }
0xa6: {  	s5 =	sshll.u32 s26, $0x1;
	_ =	strace $0x80000046;
	[dreg:$0x1] =	wrdreg $0xFFFFFFFF  }
0xa7: {  	s28 =	simm.s32 $_size_execute0_lowered;
	s3 =	sadd.s32 s3, s5;
	[dreg:$0x0] =	wrdreg $0x0  }
0xa8: {  	s5 =	sshll.u32 s28, $0x1;
	[dreg:$0x2] =	wrdreg s3  }
0xa9: {  	[dreg:$0x3] =	wrdreg s5  }
0xaa: {  	[dreg:$0x4] =	wrdreg $0xC0  }
0xab: {  	_ =	task [dreg:s7], $0x5FFFF  }
0xac: {  	[dreg:$0x1] =	wrdreg $0xFFFFFFFF  }
0xad: {  	[dreg:$0x0] =	wrdreg $0x60  }
0xae: {  	[dreg:$0x2] =	wrdreg s24  }
0xaf: {  	[dreg:$0x3] =	wrdreg s2  }
0xb0: {  	[dreg:$0x4] =	wrdreg $0x9  }
0xb1: {  	_ =	task.clear_ibuf [dreg:s7], $0x5FFFF;
	_ =	strace $0x90000046  }
0xb2: {  	s29 =	simm.s32 $0x9;
	_ =	strace $0x80000048  }
0xb3: {  	_ =	swait.ge [sflag:s29], $0x1  }
0xb4: {  	[sflag:s29] =	ssyncadd.s32 $0xFFFFFFFF  }
0xb5: {  	_ =	strace $0x90000048  }
0xb6: {  	_ =	sfence  }
0xb7: {  	s30 =	sld [smem:$0x0];
	_ =	sdelay $0x2  }
0xb8: {  	s31 =	sshll.u32 s1, $0xD;
	s1 =	sshrl.u32 s1, $0x2  }
0xb9: {  	s3 =	sand.u32 $0x4000, s31;
	s1 =	sadd.s32 s1, s30  }
0xba: {  	s0 =	sor.u32 s3, s0;
	s1 =	sshll.u32 s1, $0x11  }
0xbb: {  	s0 =	sor.u32 s1, s0  }
0xbc: {  	s0 =	sadd.s32 $0x8F2B, s0  }
0xbd: {  	[sflag:s0] =	ssyncadd.remote.s32 $0x1  }
0xbe: {  	_ =	sfence.sel $0xFFFF  }
0xbf: {  	[dreg:$0x0] =	wrdreg $0xFFFFFFFF;
	(pc) =	sbr.abs _section_cstart, $3  }
0xc0: {  	[dreg:$0x1] =	wrdreg $0xFFFFFFFF  }
0xc1: {  	_ =	task.clear_ibuf [dreg:s7], $0x2FFFF;
	_ =	strace $0x9FFFFFFF  }
0xc2: {  	(tm) =	ssettm $0x7FFFFFFF  }
0xc3: {  	_ =	shalt  }
tec
execute0_lowered:
.L_overlay_start_1:
0x0: {  	(tag) =	ssettag $0x1  }
0x1: {  	s0 =	rddreg [dreg:$0x0];
	s1 =	srdreg.scid  }
0x2: {  	s11 =	stileid.u32;
	s4 =	rddreg [dreg:$0x1];
	s2 =	simm.s32 $0x0  }
0x3: {  	s31 =	simm.s32 $0x1C00;
	[smem:$0x7FF] =	sst s2;
	s22 =	sadd.s32 $0x3A00, s0  }
0x4: {  	s24 =	sadd.s32 $0x3C00, s0;
	_ =	strace $0x80000047;
	[dreg:$0x9] =	wrdreg s22  }
0x5: {  	s1 =	sand.u32 $0x1, s1;
	s9 =	sadd.s32 $0x4600, s0;
	[dreg:$0xa] =	wrdreg s24  }
0x6: {  	s3 =	sshll.u32 s11, $0x1;
	s10 =	sadd.s32 $0x4800, s0;
	[dreg:$0x11] =	wrdreg s9  }
0x7: {  	s19 =	smul.u32 $0xA0, s11;
	s11 =	sadd.s32 $0x4A00, s0;
	[dreg:$0x12] =	wrdreg s10  }
0x8: {  	s12 =	sadd.s32 $0x4C00, s0;
	s13 =	sadd.s32 $0x4E00, s0;
	[dreg:$0x13] =	wrdreg s11  }
0x9: {  	s14 =	sadd.s32 $0x5000, s0;
	s15 =	sadd.s32 $0x5200, s0;
	[dreg:$0x14] =	wrdreg s12  }
0xa: {  	s25 =	sadd.s32 $0x40, s4;
	s16 =	sadd.s32 $0x5400, s0;
	[dreg:$0x15] =	wrdreg s13  }
0xb: {  	s28 =	sadd.s32 $0x6400, s0;
	s5 =	sor.u32 s1, s3;
	[dreg:$0x16] =	wrdreg s14  }
0xc: {  	s6 =	ssub.s32 $0x2, s1;
	s1 =	smul.u32 $0x50, s1;
	[dreg:$0x17] =	wrdreg s15  }
0xd: {  	s29 =	sadd.s32 $0x6600, s0;
	[dreg:$0x18] =	wrdreg s16;
	s3 =	smul.u32 $0x180, s5  }
0xe: {  	s7 =	sshrl.u32 s6, $0x1;
	s17 =	smul.u32 $0x50, s5;
	s5 =	sadd.s32 $0x3E00, s0  }
0xf: {  	s18 =	ssub.s32 s6, s7;
	s6 =	sadd.s32 $0x4000, s0;
	s7 =	sadd.s32 $0x4200, s0  }
0x10: {  	s1 =	sadd.s32 s1, s19;
	[dreg:$0xd] =	wrdreg s5;
	s8 =	sadd.s32 s3, s0  }
0x11: {  	s20 =	sshrl.u32 s17, $0x3;
	s17 =	sadd.s32 $0x48, s17;
	s19 =	sshrl.u32 s1, $0x3  }
0x12: {  	s1 =	sor.u32 $0x8, s1;
	s3 =	sadd.s32 $0x5A00, s0;
	[dreg:$0xe] =	wrdreg s6  }
0x13: {  	[dreg:$0xf] =	wrdreg s7;
	s23 =	sadd.s32 $0xA00, s8;
	s8 =	sadd.s32 $0x4400, s0  }
0x14: {  	s21 =	smul.u32 $0x3000, s20;
	s17 =	sshrl.u32 s17, $0x3;
	[dreg:$0x1a] =	wrdreg s3  }
0x15: {  	s19 =	smul.u32 $0x3000, s19;
	s1 =	sshrl.u32 s1, $0x3;
	[dreg:$0x5] =	wrdreg s23  }
0x16: {  	s22 =	smul.u32 $0x3000, s17;
	s17 =	sadd.s32 $0x5800, s0;
	[dreg:$0x10] =	wrdreg s8  }
0x17: {  	s26 =	smul.u32 $0x3000, s1;
	s1 =	sadd.s32 $0x5600, s0;
	[dreg:$0xc] =	wrdreg s17  }
0x18: {  	s30 =	sadd.s32 $0x6800, s0;
	s23 =	sadd.s32 s19, s25;
	[dreg:$0x19] =	wrdreg s1  }
0x19: {  	s24 =	sadd.s32 $0x5E00, s0;
	s21 =	sadd.s32 s4, s21;
	[dreg:$0x3] =	wrdreg s23  }
0x1a: {  	s20 =	sadd.s32 s22, s25;
	[dreg:$0x7] =	wrdreg s21;
	s4 =	sadd.s32 s26, s4  }
0x1b: {  	s23 =	sadd.s32 $0x5C00, s0;
	s25 =	sadd.s32 $0x6000, s0;
	[dreg:$0x6] =	wrdreg s20  }
0x1c: {  	v0 =	vlaneseq.u32;
	s26 =	sadd.s32 $0x6200, s0;
	s21 =	smax.u32 s18, $0x1;
	[dreg:$0x4] =	wrdreg s4  }
0x1d: {  	v1 =	vshrl.u32 v0, $0x2;
	s18 =	simm.s32 $0xC00;
	s22 =	simm.s32 $0x0;
	[dreg:$0x8] =	wrdreg s21  }
0x1e: {  	vm0 =	vmmov $0xffff;
	v0 =	vand.u32 $0x3, v0;
	v1 =	vmul.u32 $0x8, v1;
	s0 =	simm.s32 $0xCC00;
	s21 =	simm.s32 $0x1400;
	[dreg:$0xb] =	wrdreg s22  }
.LBB2_1:
0x1f: {  	s4 =	rddreg [dreg:$0x5];
	s20 =	simm.s32 $0x5  }
0x20: {  	[tilespmem:s2], [sflag:$0x5] =	stream.linear.gather [hbm4b:s4+s2], $0xA00, $0x38;
	[tilespmem:$0x18C00] =	vst v63  }
0x21: {  	_ =	swait.ge [sflag:s20], $0xA00  }
0x22: {  	[sflag:s20] =	ssyncset.done $0x0  }
0x23: {  	[sflag:s20] =	ssyncadd.s32 $0xFFFFF600  }
0x24: {  	v2 =	vld.msk [tilespmem:$0x0], $0xf;
	_ =	sdelay $0x4  }
0x25: {  	v3 =	vshrl.u32 v2, $0x3  }
0x26: {  	v3 =	vmul.u32 $0x300, v3  }
0x27: {  	v2 =	vand.u32 $0x7, v2  }
0x28: {  	v2 =	vor.u32 v2, v3  }
0x29: {  	v2 =	vperm.xlane v2, v0;
	_ =	sdelay $0x1  }
0x2a: {  	v2 =	vadd.s32 v1, v2  }
0x2b: {  	s19 =	smov.u32 s16;
	s16 =	smov.u32 s15  }
0x2c: {  	s15 =	smov.u32 s14;
	s14 =	smov.u32 s13;
	s13 =	smov.u32 s12  }
0x2d: {  	s12 =	smov.u32 s11;
	s11 =	smov.u32 s10;
	s10 =	smov.u32 s9  }
0x2e: {  	s9 =	smov.u32 s8;
	s8 =	smov.u32 s7;
	s22 =	rddreg [dreg:$0x9]  }
0x2f: {  	[tilespmem:s18], [sflag:$0x1] =	stream.indirect_vreg.gather [hbm4b:s22+s2], $0x80, v2, vm0, $0xb8;
	[tilespmem:$0x18C00] =	vst v63  }
0x30: {  	s7 =	smov.u32 s6;
	s6 =	smov.u32 s5;
	s5 =	rddreg [dreg:$0xa]  }
0x31: {  	[tilespmem:s21], [sflag:$0x1] =	stream.indirect_vreg.gather [hbm4b:s5+s2], $0x80, v2, vm0, $0xb8;
	[tilespmem:$0x18C00] =	vst v63  }
0x32: {  	_ = 	snop  }
0x33: {  	[tilespmem:s31], [sflag:$0x1] =	stream.indirect_vreg.gather [hbm4b:s6+s2], $0x80, v2, vm0, $0xb8;
	[tilespmem:$0x18C00] =	vst v63  }
0x34: {  	s21 =	simm.s32 $0x2400  }
0x35: {  	[tilespmem:s21], [sflag:$0x1] =	stream.indirect_vreg.gather [hbm4b:s7+s2], $0x80, v2, vm0, $0xb8;
	[tilespmem:$0x18C00] =	vst v63  }
0x36: {  	s31 =	simm.s32 $0x2C00  }
0x37: {  	[tilespmem:s31], [sflag:$0x1] =	stream.indirect_vreg.gather [hbm4b:s8+s2], $0x80, v2, vm0, $0xb8;
	[tilespmem:$0x18C00] =	vst v63  }
0x38: {  	s20 =	simm.s32 $0x3400  }
0x39: {  	[tilespmem:s20], [sflag:$0x1] =	stream.indirect_vreg.gather [hbm4b:s9+s2], $0x80, v2, vm0, $0xb8;
	[tilespmem:$0x18C00] =	vst v63  }
0x3a: {  	s21 =	simm.s32 $0x3C00  }
0x3b: {  	[tilespmem:s21], [sflag:$0x1] =	stream.indirect_vreg.gather [hbm4b:s10+s2], $0x80, v2, vm0, $0xb8;
	[tilespmem:$0x18C00] =	vst v63  }
0x3c: {  	s31 =	simm.s32 $0x4400  }
0x3d: {  	[tilespmem:s31], [sflag:$0x1] =	stream.indirect_vreg.gather [hbm4b:s11+s2], $0x80, v2, vm0, $0xb8;
	[tilespmem:$0x18C00] =	vst v63  }
0x3e: {  	s20 =	simm.s32 $0x4C00  }
0x3f: {  	[tilespmem:s20], [sflag:$0x1] =	stream.indirect_vreg.gather [hbm4b:s12+s2], $0x80, v2, vm0, $0xb8;
	[tilespmem:$0x18C00] =	vst v63  }
0x40: {  	s21 =	simm.s32 $0x5400  }
0x41: {  	[tilespmem:s21], [sflag:$0x1] =	stream.indirect_vreg.gather [hbm4b:s13+s2], $0x80, v2, vm0, $0xb8;
	[tilespmem:$0x18C00] =	vst v63  }
0x42: {  	s31 =	simm.s32 $0x5C00  }
0x43: {  	[tilespmem:s31], [sflag:$0x1] =	stream.indirect_vreg.gather [hbm4b:s14+s2], $0x80, v2, vm0, $0xb8;
	[tilespmem:$0x18C00] =	vst v63  }
0x44: {  	s20 =	simm.s32 $0x6400  }
0x45: {  	[tilespmem:s20], [sflag:$0x1] =	stream.indirect_vreg.gather [hbm4b:s15+s2], $0x80, v2, vm0, $0xb8;
	[tilespmem:$0x18C00] =	vst v63  }
0x46: {  	s21 =	simm.s32 $0x6C00  }
0x47: {  	[tilespmem:s21], [sflag:$0x1] =	stream.indirect_vreg.gather [hbm4b:s16+s2], $0x80, v2, vm0, $0xb8;
	[tilespmem:$0x18C00] =	vst v63  }
0x48: {  	s31 =	simm.s32 $0x7400  }
0x49: {  	[tilespmem:s31], [sflag:$0x1] =	stream.indirect_vreg.gather [hbm4b:s19+s2], $0x80, v2, vm0, $0xb8;
	[tilespmem:$0x18C00] =	vst v63  }
0x4a: {  	s20 =	simm.s32 $0x7C00  }
0x4b: {  	[tilespmem:s20], [sflag:$0x1] =	stream.indirect_vreg.gather [hbm4b:s1+s2], $0x80, v2, vm0, $0xb8;
	[tilespmem:$0x18C00] =	vst v63  }
0x4c: {  	s31 =	simm.s32 $0x8400  }
0x4d: {  	[tilespmem:s31], [sflag:$0x1] =	stream.indirect_vreg.gather [hbm4b:s17+s2], $0x80, v2, vm0, $0xb8;
	[tilespmem:$0x18C00] =	vst v63  }
0x4e: {  	s21 =	smov.u32 s19;
	s19 =	simm.s32 $0x8C00  }
0x4f: {  	[tilespmem:s19], [sflag:$0x1] =	stream.indirect_vreg.gather [hbm4b:s3+s2], $0x80, v2, vm0, $0xb8;
	[tilespmem:$0x18C00] =	vst v63  }
0x50: {  	s20 =	simm.s32 $0x9400  }
0x51: {  	[tilespmem:s20], [sflag:$0x1] =	stream.indirect_vreg.gather [hbm4b:s23+s2], $0x80, v2, vm0, $0xb8;
	[tilespmem:$0x18C00] =	vst v63  }
0x52: {  	s31 =	simm.s32 $0x9C00  }
0x53: {  	[tilespmem:s31], [sflag:$0x1] =	stream.indirect_vreg.gather [hbm4b:s24+s2], $0x80, v2, vm0, $0xb8;
	[tilespmem:$0x18C00] =	vst v63  }
0x54: {  	s19 =	simm.s32 $0xA400  }
0x55: {  	[tilespmem:s19], [sflag:$0x1] =	stream.indirect_vreg.gather [hbm4b:s25+s2], $0x80, v2, vm0, $0xb8;
	[tilespmem:$0x18C00] =	vst v63  }
0x56: {  	s20 =	simm.s32 $0xAC00  }
0x57: {  	[tilespmem:s20], [sflag:$0x1] =	stream.indirect_vreg.gather [hbm4b:s26+s2], $0x80, v2, vm0, $0xb8;
	[tilespmem:$0x18C00] =	vst v63  }
0x58: {  	s31 =	simm.s32 $0xB400  }
0x59: {  	[tilespmem:s31], [sflag:$0x1] =	stream.indirect_vreg.gather [hbm4b:s28+s2], $0x80, v2, vm0, $0xb8;
	[tilespmem:$0x18C00] =	vst v63  }
0x5a: {  	s19 =	simm.s32 $0xBC00  }
0x5b: {  	[tilespmem:s19], [sflag:$0x1] =	stream.indirect_vreg.gather [hbm4b:s29+s2], $0x80, v2, vm0, $0xb8;
	[tilespmem:$0x18C00] =	vst v63  }
0x5c: {  	s20 =	simm.s32 $0xC400;
	s31 =	simm.s32 $0x1  }
0x5d: {  	[tilespmem:s20], [sflag:$0x1] =	stream.indirect_vreg.gather [hbm4b:s30+s2], $0x80, v2, vm0, $0xb8;
	[tilespmem:$0x18C00] =	vst v63  }
0x5e: {  	_ =	swait.ge [sflag:s31], $0xC000  }
0x5f: {  	s19 =	smov.u32 s3;
	s20 =	simm.s32 $0x400;
	[sflag:s31] =	ssyncset.done $0x0  }
0x60: {  	s3 =	rddreg [dreg:$0x7];
	[sflag:s31] =	ssyncadd.s32 $0xFFFF4000;
	s31 =	simm.s32 $0x200  }
0x61: {  	[hbm4b:s3+s31] =	stream.strided.scatter [tilespmem:s18], [sflag:$0x3], $0xC000, s20, s31, $0x38;
	[tilespmem:$0x18C00] =	vst v63  }
0x62: {  	v2 =	vld.msk [tilespmem:$0x80], $0xf;
	_ =	sdelay $0x4  }
0x63: {  	v3 =	vshrl.u32 v2, $0x3  }
0x64: {  	v3 =	vmul.u32 $0x300, v3  }
0x65: {  	v2 =	vand.u32 $0x7, v2  }
0x66: {  	v2 =	vor.u32 v2, v3  }
0x67: {  	v2 =	vperm.xlane v2, v0;
	_ =	sdelay $0x1  }
0x68: {  	v2 =	vadd.s32 v1, v2;
	_ =	sdelay $0x4  }
0x69: {  	[tilespmem:s0], [sflag:$0x2] =	stream.indirect_vreg.gather [hbm4b:s22+s2], $0x80, v2, vm0, $0xb8;
	[tilespmem:$0x18C00] =	vst v63  }
0x6a: {  	s22 =	simm.s32 $0xD400  }
0x6b: {  	[tilespmem:s22], [sflag:$0x2] =	stream.indirect_vreg.gather [hbm4b:s5+s2], $0x80, v2, vm0, $0xb8;
	[tilespmem:$0x18C00] =	vst v63  }
0x6c: {  	s31 =	simm.s32 $0xDC00  }
0x6d: {  	[tilespmem:s31], [sflag:$0x2] =	stream.indirect_vreg.gather [hbm4b:s6+s2], $0x80, v2, vm0, $0xb8;
	[tilespmem:$0x18C00] =	vst v63  }
0x6e: {  	s3 =	simm.s32 $0xE400  }
0x6f: {  	[tilespmem:s3], [sflag:$0x2] =	stream.indirect_vreg.gather [hbm4b:s7+s2], $0x80, v2, vm0, $0xb8;
	[tilespmem:$0x18C00] =	vst v63  }
0x70: {  	s4 =	simm.s32 $0xEC00  }
0x71: {  	[tilespmem:s4], [sflag:$0x2] =	stream.indirect_vreg.gather [hbm4b:s8+s2], $0x80, v2, vm0, $0xb8;
	[tilespmem:$0x18C00] =	vst v63  }
0x72: {  	s5 =	simm.s32 $0xF400  }
0x73: {  	[tilespmem:s5], [sflag:$0x2] =	stream.indirect_vreg.gather [hbm4b:s9+s2], $0x80, v2, vm0, $0xb8;
	[tilespmem:$0x18C00] =	vst v63  }
0x74: {  	s6 =	simm.s32 $0xFC00  }
0x75: {  	[tilespmem:s6], [sflag:$0x2] =	stream.indirect_vreg.gather [hbm4b:s10+s2], $0x80, v2, vm0, $0xb8;
	[tilespmem:$0x18C00] =	vst v63  }
0x76: {  	s7 =	simm.s32 $0x10400  }
0x77: {  	[tilespmem:s7], [sflag:$0x2] =	stream.indirect_vreg.gather [hbm4b:s11+s2], $0x80, v2, vm0, $0xb8;
	[tilespmem:$0x18C00] =	vst v63  }
0x78: {  	s8 =	simm.s32 $0x10C00  }
0x79: {  	[tilespmem:s8], [sflag:$0x2] =	stream.indirect_vreg.gather [hbm4b:s12+s2], $0x80, v2, vm0, $0xb8;
	[tilespmem:$0x18C00] =	vst v63  }
0x7a: {  	s9 =	simm.s32 $0x11400  }
0x7b: {  	[tilespmem:s9], [sflag:$0x2] =	stream.indirect_vreg.gather [hbm4b:s13+s2], $0x80, v2, vm0, $0xb8;
	[tilespmem:$0x18C00] =	vst v63  }
0x7c: {  	s10 =	simm.s32 $0x11C00  }
0x7d: {  	[tilespmem:s10], [sflag:$0x2] =	stream.indirect_vreg.gather [hbm4b:s14+s2], $0x80, v2, vm0, $0xb8;
	[tilespmem:$0x18C00] =	vst v63  }
0x7e: {  	s11 =	simm.s32 $0x12400  }
0x7f: {  	[tilespmem:s11], [sflag:$0x2] =	stream.indirect_vreg.gather [hbm4b:s15+s2], $0x80, v2, vm0, $0xb8;
	[tilespmem:$0x18C00] =	vst v63  }
0x80: {  	s12 =	simm.s32 $0x12C00  }
0x81: {  	[tilespmem:s12], [sflag:$0x2] =	stream.indirect_vreg.gather [hbm4b:s16+s2], $0x80, v2, vm0, $0xb8;
	[tilespmem:$0x18C00] =	vst v63  }
0x82: {  	s13 =	simm.s32 $0x13400  }
0x83: {  	[tilespmem:s13], [sflag:$0x2] =	stream.indirect_vreg.gather [hbm4b:s21+s2], $0x80, v2, vm0, $0xb8;
	[tilespmem:$0x18C00] =	vst v63  }
0x84: {  	s14 =	simm.s32 $0x13C00  }
0x85: {  	[tilespmem:s14], [sflag:$0x2] =	stream.indirect_vreg.gather [hbm4b:s1+s2], $0x80, v2, vm0, $0xb8;
	[tilespmem:$0x18C00] =	vst v63  }
0x86: {  	s15 =	simm.s32 $0x14400  }
0x87: {  	[tilespmem:s15], [sflag:$0x2] =	stream.indirect_vreg.gather [hbm4b:s17+s2], $0x80, v2, vm0, $0xb8;
	[tilespmem:$0x18C00] =	vst v63  }
0x88: {  	s16 =	simm.s32 $0x14C00  }
0x89: {  	[tilespmem:s16], [sflag:$0x2] =	stream.indirect_vreg.gather [hbm4b:s19+s2], $0x80, v2, vm0, $0xb8;
	[tilespmem:$0x18C00] =	vst v63  }
0x8a: {  	s17 =	simm.s32 $0x15400  }
0x8b: {  	[tilespmem:s17], [sflag:$0x2] =	stream.indirect_vreg.gather [hbm4b:s23+s2], $0x80, v2, vm0, $0xb8;
	[tilespmem:$0x18C00] =	vst v63  }
0x8c: {  	s18 =	simm.s32 $0x15C00  }
0x8d: {  	[tilespmem:s18], [sflag:$0x2] =	stream.indirect_vreg.gather [hbm4b:s24+s2], $0x80, v2, vm0, $0xb8;
	[tilespmem:$0x18C00] =	vst v63  }
0x8e: {  	s19 =	simm.s32 $0x16400  }
0x8f: {  	[tilespmem:s19], [sflag:$0x2] =	stream.indirect_vreg.gather [hbm4b:s25+s2], $0x80, v2, vm0, $0xb8;
	[tilespmem:$0x18C00] =	vst v63  }
0x90: {  	s20 =	simm.s32 $0x16C00  }
0x91: {  	[tilespmem:s20], [sflag:$0x2] =	stream.indirect_vreg.gather [hbm4b:s26+s2], $0x80, v2, vm0, $0xb8;
	[tilespmem:$0x18C00] =	vst v63  }
0x92: {  	s21 =	simm.s32 $0x17400  }
0x93: {  	[tilespmem:s21], [sflag:$0x2] =	stream.indirect_vreg.gather [hbm4b:s28+s2], $0x80, v2, vm0, $0xb8;
	[tilespmem:$0x18C00] =	vst v63  }
0x94: {  	s22 =	simm.s32 $0x17C00  }
0x95: {  	[tilespmem:s22], [sflag:$0x2] =	stream.indirect_vreg.gather [hbm4b:s29+s2], $0x80, v2, vm0, $0xb8;
	[tilespmem:$0x18C00] =	vst v63  }
0x96: {  	s31 =	simm.s32 $0x18400;
	s4 =	simm.s32 $0x180;
	s18 =	simm.s32 $0x0  }
0x97: {  	[tilespmem:s31], [sflag:$0x2] =	stream.indirect_vreg.gather [hbm4b:s30+s2], $0x80, v2, vm0, $0xb8;
	[tilespmem:$0x18C00] =	vst v63  }
.LBB2_2:
0x98: {  	s0 =	simm.s32 $0x2  }
0x99: {  	s1 =	simm.s32 $0x200;
	s21 =	simm.s32 $0x400;
	_ =	swait.ge [sflag:s0], $0xC000  }
0x9a: {  	s6 =	simm.s32 $0xCC00;
	s31 =	rddreg [dreg:$0x3];
	[sflag:s0] =	ssyncset.done $0x0  }
0x9b: {  	s7 =	simm.s32 $0x3;
	[sflag:s0] =	ssyncadd.s32 $0xFFFF4000;
	s31 =	sadd.s32 s18, s31  }
0x9c: {  	[hbm4b:s31+s1] =	stream.strided.scatter [tilespmem:s6], [sflag:$0x4], $0xC000, s21, s1, $0x38;
	[tilespmem:$0x18C00] =	vst v63  }
0x9d: {  	_ =	swait.ge [sflag:s7], $0xC000  }
0x9e: {  	[sflag:s7] =	ssyncset.done $0x0  }
0x9f: {  	[sflag:s7] =	ssyncadd.s32 $0xFFFF4000  }
0xa0: {  	v2 =	vld.msk [tilespmem:s4+$0xFFFFFF80], $0xf;
	_ =	sdelay $0x4  }
0xa1: {  	v3 =	vshrl.u32 v2, $0x3  }
0xa2: {  	v3 =	vmul.u32 $0x300, v3  }
0xa3: {  	v2 =	vand.u32 $0x7, v2  }
0xa4: {  	v2 =	vor.u32 v2, v3  }
0xa5: {  	v2 =	vperm.xlane v2, v0;
	_ =	sdelay $0x1  }
0xa6: {  	v2 =	vadd.s32 v1, v2;
	_ =	sdelay $0x3  }
0xa7: {  	s3 =	simm.s32 $0xC00;
	s1 =	rddreg [dreg:$0x9]  }
0xa8: {  	[tilespmem:s3], [sflag:$0x1] =	stream.indirect_vreg.gather [hbm4b:s1+s2], $0x80, v2, vm0, $0xb8;
	[tilespmem:$0x18C00] =	vst v63  }
0xa9: {  	s8 =	simm.s32 $0x1400;
	s6 =	rddreg [dreg:$0xa]  }
0xaa: {  	[tilespmem:s8], [sflag:$0x1] =	stream.indirect_vreg.gather [hbm4b:s6+s2], $0x80, v2, vm0, $0xb8;
	[tilespmem:$0x18C00] =	vst v63  }
0xab: {  	s9 =	simm.s32 $0x1C00;
	s7 =	rddreg [dreg:$0xd]  }
0xac: {  	[tilespmem:s9], [sflag:$0x1] =	stream.indirect_vreg.gather [hbm4b:s7+s2], $0x80, v2, vm0, $0xb8;
	[tilespmem:$0x18C00] =	vst v63  }
0xad: {  	s5 =	simm.s32 $0x2400;
	s8 =	rddreg [dreg:$0xe]  }
0xae: {  	[tilespmem:s5], [sflag:$0x1] =	stream.indirect_vreg.gather [hbm4b:s8+s2], $0x80, v2, vm0, $0xb8;
	[tilespmem:$0x18C00] =	vst v63  }
0xaf: {  	s10 =	simm.s32 $0x2C00;
	s9 =	rddreg [dreg:$0xf]  }
0xb0: {  	[tilespmem:s10], [sflag:$0x1] =	stream.indirect_vreg.gather [hbm4b:s9+s2], $0x80, v2, vm0, $0xb8;
	[tilespmem:$0x18C00] =	vst v63  }
0xb1: {  	s11 =	simm.s32 $0x3400;
	s10 =	rddreg [dreg:$0x10]  }
0xb2: {  	[tilespmem:s11], [sflag:$0x1] =	stream.indirect_vreg.gather [hbm4b:s10+s2], $0x80, v2, vm0, $0xb8;
	[tilespmem:$0x18C00] =	vst v63  }
0xb3: {  	s12 =	simm.s32 $0x3C00;
	s11 =	rddreg [dreg:$0x11]  }
0xb4: {  	[tilespmem:s12], [sflag:$0x1] =	stream.indirect_vreg.gather [hbm4b:s11+s2], $0x80, v2, vm0, $0xb8;
	[tilespmem:$0x18C00] =	vst v63  }
0xb5: {  	s13 =	simm.s32 $0x4400;
	s12 =	rddreg [dreg:$0x12]  }
0xb6: {  	[tilespmem:s13], [sflag:$0x1] =	stream.indirect_vreg.gather [hbm4b:s12+s2], $0x80, v2, vm0, $0xb8;
	[tilespmem:$0x18C00] =	vst v63  }
0xb7: {  	s14 =	simm.s32 $0x4C00;
	s13 =	rddreg [dreg:$0x13]  }
0xb8: {  	[tilespmem:s14], [sflag:$0x1] =	stream.indirect_vreg.gather [hbm4b:s13+s2], $0x80, v2, vm0, $0xb8;
	[tilespmem:$0x18C00] =	vst v63  }
0xb9: {  	s15 =	simm.s32 $0x5400;
	s14 =	rddreg [dreg:$0x14]  }
0xba: {  	[tilespmem:s15], [sflag:$0x1] =	stream.indirect_vreg.gather [hbm4b:s14+s2], $0x80, v2, vm0, $0xb8;
	[tilespmem:$0x18C00] =	vst v63  }
0xbb: {  	s16 =	simm.s32 $0x5C00;
	s15 =	rddreg [dreg:$0x15]  }
0xbc: {  	[tilespmem:s16], [sflag:$0x1] =	stream.indirect_vreg.gather [hbm4b:s15+s2], $0x80, v2, vm0, $0xb8;
	[tilespmem:$0x18C00] =	vst v63  }
0xbd: {  	s17 =	simm.s32 $0x6400;
	s16 =	rddreg [dreg:$0x16]  }
0xbe: {  	[tilespmem:s17], [sflag:$0x1] =	stream.indirect_vreg.gather [hbm4b:s16+s2], $0x80, v2, vm0, $0xb8;
	[tilespmem:$0x18C00] =	vst v63  }
0xbf: {  	s19 =	simm.s32 $0x6C00;
	s17 =	rddreg [dreg:$0x17]  }
0xc0: {  	[tilespmem:s19], [sflag:$0x1] =	stream.indirect_vreg.gather [hbm4b:s17+s2], $0x80, v2, vm0, $0xb8;
	[tilespmem:$0x18C00] =	vst v63  }
0xc1: {  	s20 =	simm.s32 $0x7400;
	s22 =	rddreg [dreg:$0x18]  }
0xc2: {  	[tilespmem:s20], [sflag:$0x1] =	stream.indirect_vreg.gather [hbm4b:s22+s2], $0x80, v2, vm0, $0xb8;
	[tilespmem:$0x18C00] =	vst v63  }
0xc3: {  	s31 =	simm.s32 $0x7C00;
	s19 =	rddreg [dreg:$0x19]  }
0xc4: {  	[tilespmem:s31], [sflag:$0x1] =	stream.indirect_vreg.gather [hbm4b:s19+s2], $0x80, v2, vm0, $0xb8;
	[tilespmem:$0x18C00] =	vst v63  }
0xc5: {  	s5 =	rddreg [dreg:$0xc];
	s20 =	simm.s32 $0x8400  }
0xc6: {  	[tilespmem:s20], [sflag:$0x1] =	stream.indirect_vreg.gather [hbm4b:s5+s2], $0x80, v2, vm0, $0xb8;
	[tilespmem:$0x18C00] =	vst v63  }
0xc7: {  	s0 =	simm.s32 $0x8C00;
	s20 =	rddreg [dreg:$0x1a]  }
0xc8: {  	[tilespmem:s0], [sflag:$0x1] =	stream.indirect_vreg.gather [hbm4b:s20+s2], $0x80, v2, vm0, $0xb8;
	[tilespmem:$0x18C00] =	vst v63  }
0xc9: {  	s0 =	simm.s32 $0x9400  }
0xca: {  	[tilespmem:s0], [sflag:$0x1] =	stream.indirect_vreg.gather [hbm4b:s23+s2], $0x80, v2, vm0, $0xb8;
	[tilespmem:$0x18C00] =	vst v63  }
0xcb: {  	s0 =	simm.s32 $0x9C00  }
0xcc: {  	[tilespmem:s0], [sflag:$0x1] =	stream.indirect_vreg.gather [hbm4b:s24+s2], $0x80, v2, vm0, $0xb8;
	[tilespmem:$0x18C00] =	vst v63  }
0xcd: {  	s0 =	simm.s32 $0xA400  }
0xce: {  	[tilespmem:s0], [sflag:$0x1] =	stream.indirect_vreg.gather [hbm4b:s25+s2], $0x80, v2, vm0, $0xb8;
	[tilespmem:$0x18C00] =	vst v63  }
0xcf: {  	s0 =	simm.s32 $0xAC00  }
0xd0: {  	[tilespmem:s0], [sflag:$0x1] =	stream.indirect_vreg.gather [hbm4b:s26+s2], $0x80, v2, vm0, $0xb8;
	[tilespmem:$0x18C00] =	vst v63  }
0xd1: {  	s0 =	simm.s32 $0xB400  }
0xd2: {  	[tilespmem:s0], [sflag:$0x1] =	stream.indirect_vreg.gather [hbm4b:s28+s2], $0x80, v2, vm0, $0xb8;
	[tilespmem:$0x18C00] =	vst v63  }
0xd3: {  	s0 =	simm.s32 $0xBC00  }
0xd4: {  	[tilespmem:s0], [sflag:$0x1] =	stream.indirect_vreg.gather [hbm4b:s29+s2], $0x80, v2, vm0, $0xb8;
	[tilespmem:$0x18C00] =	vst v63  }
0xd5: {  	s0 =	simm.s32 $0xC400  }
0xd6: {  	[tilespmem:s0], [sflag:$0x1] =	stream.indirect_vreg.gather [hbm4b:s30+s2], $0x80, v2, vm0, $0xb8;
	[tilespmem:$0x18C00] =	vst v63  }
0xd7: {  	s0 =	simm.s32 $0x1  }
0xd8: {  	_ =	swait.ge [sflag:s0], $0xC000  }
0xd9: {  	s31 =	rddreg [dreg:$0x4];
	[sflag:s0] =	ssyncset.done $0x0  }
0xda: {  	[sflag:s0] =	ssyncadd.s32 $0xFFFF4000;
	s31 =	sadd.s32 s18, s31;
	s0 =	simm.s32 $0x200  }
0xdb: {  	[hbm4b:s31+s0] =	stream.strided.scatter [tilespmem:s3], [sflag:$0x3], $0xC000, s21, s0, $0x38;
	[tilespmem:$0x18C00] =	vst v63  }
0xdc: {  	s21 =	simm.s32 $0x4  }
0xdd: {  	_ =	swait.ge [sflag:s21], $0xC000  }
0xde: {  	[sflag:s21] =	ssyncset.done $0x0  }
0xdf: {  	[sflag:s21] =	ssyncadd.s32 $0xFFFF4000  }
0xe0: {  	v2 =	vld.msk [tilespmem:s4+$0x0], $0xf;
	_ =	sdelay $0x4  }
0xe1: {  	v3 =	vshrl.u32 v2, $0x3  }
0xe2: {  	v3 =	vmul.u32 $0x300, v3  }
0xe3: {  	v2 =	vand.u32 $0x7, v2  }
0xe4: {  	v2 =	vor.u32 v2, v3  }
0xe5: {  	v2 =	vperm.xlane v2, v0;
	_ =	sdelay $0x1  }
0xe6: {  	v2 =	vadd.s32 v1, v2;
	_ =	sdelay $0x3  }
0xe7: {  	s31 =	simm.s32 $0xCC00  }
0xe8: {  	[tilespmem:s31], [sflag:$0x2] =	stream.indirect_vreg.gather [hbm4b:s1+s2], $0x80, v2, vm0, $0xb8;
	[tilespmem:$0x18C00] =	vst v63  }
0xe9: {  	s3 =	simm.s32 $0xD400  }
0xea: {  	[tilespmem:s3], [sflag:$0x2] =	stream.indirect_vreg.gather [hbm4b:s6+s2], $0x80, v2, vm0, $0xb8;
	[tilespmem:$0x18C00] =	vst v63  }
0xeb: {  	s6 =	simm.s32 $0xDC00  }
0xec: {  	[tilespmem:s6], [sflag:$0x2] =	stream.indirect_vreg.gather [hbm4b:s7+s2], $0x80, v2, vm0, $0xb8;
	[tilespmem:$0x18C00] =	vst v63  }
0xed: {  	s7 =	simm.s32 $0xE400  }
0xee: {  	[tilespmem:s7], [sflag:$0x2] =	stream.indirect_vreg.gather [hbm4b:s8+s2], $0x80, v2, vm0, $0xb8;
	[tilespmem:$0x18C00] =	vst v63  }
0xef: {  	s21 =	simm.s32 $0xEC00  }
0xf0: {  	[tilespmem:s21], [sflag:$0x2] =	stream.indirect_vreg.gather [hbm4b:s9+s2], $0x80, v2, vm0, $0xb8;
	[tilespmem:$0x18C00] =	vst v63  }
0xf1: {  	s31 =	simm.s32 $0xF400  }
0xf2: {  	[tilespmem:s31], [sflag:$0x2] =	stream.indirect_vreg.gather [hbm4b:s10+s2], $0x80, v2, vm0, $0xb8;
	[tilespmem:$0x18C00] =	vst v63  }
0xf3: {  	s3 =	simm.s32 $0xFC00  }
0xf4: {  	[tilespmem:s3], [sflag:$0x2] =	stream.indirect_vreg.gather [hbm4b:s11+s2], $0x80, v2, vm0, $0xb8;
	[tilespmem:$0x18C00] =	vst v63  }
0xf5: {  	s6 =	simm.s32 $0x10400  }
0xf6: {  	[tilespmem:s6], [sflag:$0x2] =	stream.indirect_vreg.gather [hbm4b:s12+s2], $0x80, v2, vm0, $0xb8;
	[tilespmem:$0x18C00] =	vst v63  }
0xf7: {  	s7 =	simm.s32 $0x10C00  }
0xf8: {  	[tilespmem:s7], [sflag:$0x2] =	stream.indirect_vreg.gather [hbm4b:s13+s2], $0x80, v2, vm0, $0xb8;
	[tilespmem:$0x18C00] =	vst v63  }
0xf9: {  	s8 =	simm.s32 $0x11400  }
0xfa: {  	[tilespmem:s8], [sflag:$0x2] =	stream.indirect_vreg.gather [hbm4b:s14+s2], $0x80, v2, vm0, $0xb8;
	[tilespmem:$0x18C00] =	vst v63  }
0xfb: {  	s9 =	simm.s32 $0x11C00  }
0xfc: {  	[tilespmem:s9], [sflag:$0x2] =	stream.indirect_vreg.gather [hbm4b:s15+s2], $0x80, v2, vm0, $0xb8;
	[tilespmem:$0x18C00] =	vst v63  }
0xfd: {  	s10 =	simm.s32 $0x12400  }
0xfe: {  	[tilespmem:s10], [sflag:$0x2] =	stream.indirect_vreg.gather [hbm4b:s16+s2], $0x80, v2, vm0, $0xb8;
	[tilespmem:$0x18C00] =	vst v63  }
0xff: {  	s11 =	simm.s32 $0x12C00  }
0x100: {  	[tilespmem:s11], [sflag:$0x2] =	stream.indirect_vreg.gather [hbm4b:s17+s2], $0x80, v2, vm0, $0xb8;
	[tilespmem:$0x18C00] =	vst v63  }
0x101: {  	s12 =	simm.s32 $0x13400  }
0x102: {  	[tilespmem:s12], [sflag:$0x2] =	stream.indirect_vreg.gather [hbm4b:s22+s2], $0x80, v2, vm0, $0xb8;
	[tilespmem:$0x18C00] =	vst v63  }
0x103: {  	s13 =	simm.s32 $0x13C00  }
0x104: {  	[tilespmem:s13], [sflag:$0x2] =	stream.indirect_vreg.gather [hbm4b:s19+s2], $0x80, v2, vm0, $0xb8;
	[tilespmem:$0x18C00] =	vst v63  }
0x105: {  	s14 =	simm.s32 $0x14400  }
0x106: {  	[tilespmem:s14], [sflag:$0x2] =	stream.indirect_vreg.gather [hbm4b:s5+s2], $0x80, v2, vm0, $0xb8;
	[tilespmem:$0x18C00] =	vst v63  }
0x107: {  	s15 =	simm.s32 $0x14C00  }
0x108: {  	[tilespmem:s15], [sflag:$0x2] =	stream.indirect_vreg.gather [hbm4b:s20+s2], $0x80, v2, vm0, $0xb8;
	[tilespmem:$0x18C00] =	vst v63  }
0x109: {  	s16 =	simm.s32 $0x15400  }
0x10a: {  	[tilespmem:s16], [sflag:$0x2] =	stream.indirect_vreg.gather [hbm4b:s23+s2], $0x80, v2, vm0, $0xb8;
	[tilespmem:$0x18C00] =	vst v63  }
0x10b: {  	s17 =	simm.s32 $0x15C00  }
0x10c: {  	[tilespmem:s17], [sflag:$0x2] =	stream.indirect_vreg.gather [hbm4b:s24+s2], $0x80, v2, vm0, $0xb8;
	[tilespmem:$0x18C00] =	vst v63  }
0x10d: {  	s19 =	simm.s32 $0x16400  }
0x10e: {  	[tilespmem:s19], [sflag:$0x2] =	stream.indirect_vreg.gather [hbm4b:s25+s2], $0x80, v2, vm0, $0xb8;
	[tilespmem:$0x18C00] =	vst v63  }
0x10f: {  	s20 =	simm.s32 $0x16C00  }
0x110: {  	[tilespmem:s20], [sflag:$0x2] =	stream.indirect_vreg.gather [hbm4b:s26+s2], $0x80, v2, vm0, $0xb8;
	[tilespmem:$0x18C00] =	vst v63  }
0x111: {  	p0 =	sne.s32 s18, $0x18000;
	s21 =	simm.s32 $0x17400  }
0x112: {  	[tilespmem:s21], [sflag:$0x2] =	stream.indirect_vreg.gather [hbm4b:s28+s2], $0x80, v2, vm0, $0xb8;
	[tilespmem:$0x18C00] =	vst v63  }
.Ltmp0:
0x113: {  	_ = 	snop;
	(pc) =	sbr.rel @p0 .LBB2_2-.Ltmp0, $4  }
0x114: {  	s18 =	sadd.s32 $0x3000, s18;
	s22 =	simm.s32 $0x17C00  }
0x115: {  	[tilespmem:s22], [sflag:$0x2] =	stream.indirect_vreg.gather [hbm4b:s29+s2], $0x80, v2, vm0, $0xb8;
	[tilespmem:$0x18C00] =	vst v63  }
0x116: {  	s0 =	simm.s32 $0xCC00;
	s4 =	sadd.s32 $0x100, s4;
	s31 =	simm.s32 $0x18400  }
0x117: {  	[tilespmem:s31], [sflag:$0x2] =	stream.indirect_vreg.gather [hbm4b:s30+s2], $0x80, v2, vm0, $0xb8;
	[tilespmem:$0x18C00] =	vst v63  }
0x118: {  	s1 =	simm.s32 $0x2  }
0x119: {  	_ =	swait.ge [sflag:s1], $0xC000  }
0x11a: {  	s19 =	simm.s32 $0x200;
	s3 =	simm.s32 $0x400;
	[sflag:s1] =	ssyncset.done $0x0  }
0x11b: {  	s20 =	simm.s32 $0x3;
	s4 =	rddreg [dreg:$0x6];
	[sflag:s1] =	ssyncadd.s32 $0xFFFF4000  }
0x11c: {  	[hbm4b:s4+s19] =	stream.strided.scatter [tilespmem:s0], [sflag:$0x4], $0xC000, s3, s19, $0x38;
	[tilespmem:$0x18C00] =	vst v63  }
0x11d: {  	_ =	swait.ge [sflag:s20], $0xC000  }
0x11e: {  	[sflag:s20] =	ssyncset.done $0x0  }
0x11f: {  	s21 =	simm.s32 $0x4;
	[sflag:s20] =	ssyncadd.s32 $0xFFFF4000  }
0x120: {  	_ =	swait.ge [sflag:s21], $0xC000  }
0x121: {  	s18 =	rddreg [dreg:$0xb]  }
0x122: {  	s22 =	rddreg [dreg:$0x8]  }
0x123: {  	s5 =	rddreg [dreg:$0xd]  }
0x124: {  	s6 =	rddreg [dreg:$0xe]  }
0x125: {  	s7 =	rddreg [dreg:$0xf]  }
0x126: {  	s8 =	rddreg [dreg:$0x10]  }
0x127: {  	s9 =	rddreg [dreg:$0x11]  }
0x128: {  	s10 =	rddreg [dreg:$0x12]  }
0x129: {  	s11 =	rddreg [dreg:$0x13]  }
0x12a: {  	s12 =	rddreg [dreg:$0x14]  }
0x12b: {  	s13 =	rddreg [dreg:$0x15]  }
0x12c: {  	s14 =	rddreg [dreg:$0x16];
	s18 =	sadd.s32 $0x1, s18  }
0x12d: {  	s15 =	rddreg [dreg:$0x17];
	p0 =	sne.s32 s18, s22  }
.Ltmp1:
0x12e: {  	s16 =	rddreg [dreg:$0x18];
	(pc) =	sbr.rel @p0 .LBB2_1-.Ltmp1, $4  }
0x12f: {  	s1 =	rddreg [dreg:$0x19]  }
0x130: {  	[sflag:s21] =	ssyncset.done $0x0;
	s17 =	rddreg [dreg:$0xc]  }
0x131: {  	s31 =	simm.s32 $0x1C00;
	s3 =	rddreg [dreg:$0x1a];
	[sflag:s21] =	ssyncadd.s32 $0xFFFF4000  }
0x132: {  	s21 =	simm.s32 $0x1400;
	[dreg:$0xb] =	wrdreg s18;
	s18 =	simm.s32 $0xC00  }
0x133: {  	_ =	sfence.sel $0x180000  }
0x134: {  	[bflag:$0x0] =	sbarrier.arrive $0xFFFF  }
0x135: {  	_ =	strace $0x90000047  }
0x136: {  	s0 =	stileid.u32;
	[bflag:$0x2] =	sbarrier.arrive $0xFFFF  }
0x137: {  	p0 =	sne.s32 s0, $0x0;
	s0 =	rddreg [dreg:$0x2]  }
0x138: {  	s0 =	sadd.s32 @!p0 $0x100000, s0  }
0x139: {  	[sflag:s0] =	ssyncadd.tile.s32 @!p0 $0x1;
	_ =	shalt  }
.Lfunc_end2:
_tile_overlayer_lowered:
.L_overlay_start_2:
0x13a: {  	(tag) =	ssettag $0x2  }
0x13b: {  	s0 =	rddreg [dreg:$0x0];
	s2 =	stileid.u32  }
0x13c: {  	s1 =	rddreg [dreg:$0x1];
	p0 =	sne.s32 s2, $0x0  }
0x13d: {  	s3 =	rddreg [dreg:$0x2];
	[bflag:$0x3] =	sbarrier.arrive $0xFFFF;
	s2 =	simm.s32 @!p0 $0x1C05  }
0x13e: {  	[timem:s3], [sflag:s2] =	dma.local @!p0 [hbm:s0], s1  }
0x13f: {  	s0 =	simm.s32 @!p0 $0x5  }
0x140: {  	_ =	swait.ge @!p0 [sflag:s0], s1  }
0x141: {  	s1 =	ssub.s32 @!p0 $0x0, s1;
	[sflag:s0] =	ssyncset.done @!p0 $0x0  }
0x142: {  	[sflag:s0] =	ssyncadd.s32 @!p0 s1  }
0x143: {  	[bflag:$0x3] =	sbarrier.arrive $0xFFFF  }
0x144: {  	_ =	shalt  }

// kernel: sparse-core-data-format-call.cloned.1.call-start
scs
called_computation_lowered:
.L_overlay_start_0:
0x0: {  	s2 =	sld [smem:$0x3FD9]  }
0x1: {  	s3 =	sld [smem:$0x3FFE];
	_ =	sdelay $0x1  }
0x2: {  	s1 =	srdreg.scid  }
0x3: {  	s0 =	sand.u32 $0x1, s1  }
0x4: {  	s18 =	sshll.u32 s0, $0xA;
	s2 =	sadd.s32 s3, s2  }
0x5: {  	s2 =	sadd.s32 s2, s18  }
0x6: {  	[smem:$0x3FC6] =	sst s2  }
0x7: {  	_ = 	snop  }
0x8: {  	s2 =	sld [smem:$0x3FD0];
	(tm) =	ssettm $0x1  }
0x9: {  	s19 =	sld [smem:$0x3FFB];
	_ =	sdelay $0x3  }
0xa: {  	_ =	strace s19  }
0xb: {  	s3 =	sld [smem:$0x3FFC];
	_ =	sdelay $0x3  }
0xc: {  	_ =	strace s3  }
0xd: {  	s3 =	sld [smem:$0x3FFD];
	_ =	sdelay $0x3  }
0xe: {  	_ =	strace s3  }
0xf: {  	_ =	strace $0x8FFFFFFF  }
0x10: {  	s20 =	sld [smem:$0x3FDB];
	_ =	sdelay $0x1  }
0x11: {  	s4 =	simm.s32 $_scs_section_size  }
0x12: {  	s5 =	simm.s32 $_size__tile_overlayer_lowered;
	s6 =	simm.s32 $_tile_overlayer_lowered  }
0x13: {  	s23 =	simm.s32 $0x1BFF;
	s22 =	sshll.u32 s6, $0x1;
	s3 =	sadd.s32 s4, s20  }
0x14: {  	s7 =	simm.s32 $0x0;
	s21 =	sshll.u32 s5, $0x1;
	s5 =	sadd.s32 s22, s3  }
0x15: {  	[timem:s7], [sflag:s23] =	dma.local [hbm:s5], s21  }
0x16: {  	_ =	swait.ge [sflag:s23], s21  }
0x17: {  	s4 =	ssub.s32 $0x0, s21;
	[sflag:s23] =	ssyncset.done $0x0  }
0x18: {  	[sflag:s23] =	ssyncadd.s32 s4;
	_ =	sdelay $0x1  }
0x19: {  	s24 =	simm.s32 $0x1B8B  }
0x1a: {  	_ =	swait.ge [sflag:s24], $0x1  }
0x1b: {  	[sflag:s24] =	ssyncset.done $0x0  }
0x1c: {  	s26 =	simm.s32 $0x1B8E;
	s25 =	sld [smem:$0x3FFE];
	[sflag:s24] =	ssyncadd.s32 $0xFFFFFFFF  }
0x1d: {  	s27 =	simm.s32 $execute0_lowered;
	[smem:$0x3FD2] =	sst s26  }
0x1e: {  	s5 =	sshll.u32 s27, $0x1;
	_ =	strace $0x80000049;
	[dreg:$0x1] =	wrdreg $0xFFFFFFFF  }
0x1f: {  	s28 =	simm.s32 $_size_execute0_lowered;
	s3 =	sadd.s32 s3, s5;
	[dreg:$0x0] =	wrdreg $0x0  }
0x20: {  	s5 =	sshll.u32 s28, $0x1;
	[dreg:$0x2] =	wrdreg s3  }
0x21: {  	[dreg:$0x3] =	wrdreg s5  }
0x22: {  	[dreg:$0x4] =	wrdreg $0xC0  }
0x23: {  	_ =	task [dreg:s7], $0x5FFFF  }
0x24: {  	[dreg:$0x1] =	wrdreg $0xFFFFFFFF  }
0x25: {  	[dreg:$0x0] =	wrdreg $0x60  }
0x26: {  	[dreg:$0x2] =	wrdreg s25  }
0x27: {  	[dreg:$0x3] =	wrdreg s2  }
0x28: {  	[dreg:$0x4] =	wrdreg $0x9  }
0x29: {  	_ =	task.clear_ibuf [dreg:s7], $0x5FFFF;
	_ =	strace $0x90000049  }
0x2a: {  	s29 =	simm.s32 $0x9;
	_ =	strace $0x8000004B  }
0x2b: {  	_ =	swait.ge [sflag:s29], $0x1  }
0x2c: {  	[sflag:s29] =	ssyncadd.s32 $0xFFFFFFFF  }
0x2d: {  	_ =	strace $0x9000004B  }
0x2e: {  	_ =	sfence  }
0x2f: {  	s30 =	sld [smem:$0x0];
	_ =	sdelay $0x2  }
0x30: {  	s31 =	sshll.u32 s1, $0xD;
	s1 =	sshrl.u32 s1, $0x2  }
0x31: {  	s3 =	sand.u32 $0x4000, s31;
	s1 =	sadd.s32 s1, s30  }
0x32: {  	s0 =	sor.u32 s3, s0;
	s1 =	sshll.u32 s1, $0x11  }
0x33: {  	s0 =	sor.u32 s1, s0  }
0x34: {  	s0 =	sadd.s32 $0x8F2B, s0  }
0x35: {  	[sflag:s0] =	ssyncadd.remote.s32 $0x1  }
0x36: {  	_ =	sfence.sel $0xFFFF  }
0x37: {  	[dreg:$0x0] =	wrdreg $0xFFFFFFFF;
	(pc) =	sbr.abs _section_cstart, $3  }
0x38: {  	[dreg:$0x1] =	wrdreg $0xFFFFFFFF  }
0x39: {  	_ =	task.clear_ibuf [dreg:s7], $0x2FFFF;
	_ =	strace $0x9FFFFFFF  }
0x3a: {  	(tm) =	ssettm $0x7FFFFFFF  }
0x3b: {  	_ =	shalt  }
tec
execute0_lowered:
.L_overlay_start_1:
0x0: {  	(tag) =	ssettag $0x1  }
0x1: {  	s0 =	srdreg.scid  }
0x2: {  	s1 =	sshll.u32 s0, $0x4  }
0x3: {  	s0 =	stileid.u32;
	s1 =	sand.u32 $0x10, s1  }
0x4: {  	s1 =	sor.u32 s0, s1  }
0x5: {  	s6 =	rddreg [dreg:$0x0];
	s4 =	simm.s32 $0x1;
	s2 =	sshll.u32 s1, $0x7  }
0x6: {  	s7 =	simm.s32 $0x2;
	s13 =	simm.s32 $0x0;
	s1 =	ssub.s32 $0x1000, s2  }
0x7: {  	s8 =	simm.s32 $0x8000;
	s12 =	simm.s32 $0x0;
	s3 =	sand.u32 $0xF80, s1  }
0x8: {  	s9 =	simm.s32 $0x0;
	s5 =	sshrl.u32 s1, $0xC;
	p0 =	sne.s32 s3, $0x0  }
.Ltmp0:
0x9: {  	s1 =	rddreg [dreg:$0x2];
	s4 =	simm.s32 @!p0 $0x0;
	(pc) =	sbr.rel .LBB1_1-.Ltmp0, $4  }
0xa: {  	s11 =	simm.s32 $0x0;
	s3 =	rddreg [dreg:$0x1];
	s5 =	sadd.s32 s4, s5  }
0xb: {  	_ =	strace $0x8000004A;
	s4 =	simm.s32 $0x1;
	s5 =	smul.u32 $0x60, s5  }
0xc: {  	s6 =	sadd.s32 $0x3BAA00, s6;
	s10 =	smov.u32 s2;
	[sflag:s4] =	ssyncpa.u1 $0x0  }
0xd: {  	p0 =	por $0x0, $0x0;
	[sflag:s7] =	ssyncpa.u1 $0x0;
	s7 =	sor.u32 $0x1, s5  }
.LBB1_4:
0xe: {  	v5 =	vld [tilespmem:s17+$0xFFFFFFD0];
	[tilespmem:s16+$0x2040 ss:$0x81] =	vst.msk $0xffff, v4;
	s19 =	sshll.u32 s13, $0xC;
	s20 =	sshll.u32 s12, $0x3  }
0xf: {  	v58 =	vld [tilespmem:s17+$0xFFFFFFE0];
	[tilespmem:s16+$0x2850 ss:$0x81] =	vst.msk $0xffff, v3;
	s19 =	sand.u32 $0xFFFF8000, s19;
	s21 =	sand.u32 $0xFFFFFC00, s20  }
0x10: {  	s18 =	sshra.s32 s18, $0x2;
	v59 =	vld [tilespmem:s17+$0xFFFFFFF0];
	[tilespmem:s16+$0x3060 ss:$0x81] =	vst.msk $0xffff, v2;
	s19 =	sadd.s32 s21, s19  }
0x11: {  	v60 =	vld [tilespmem:s17+$0x0];
	[tilespmem:s16+$0x0 ss:$0x81] =	vst.msk $0xffff, v0;
	s15 =	sadd.s32 s18, s15;
	s26 =	sshrl.u32 s19, $0xC  }
0x12: {  	v61 =	vld [tilespmem:s17+$0x10];
	[tilespmem:s15+$0x3870 ss:$0x81] =	vst.msk $0xffff, v1;
	s27 =	smulhi.u32 $0xAAAAB, s26  }
0x13: {  	v62 =	vld [tilespmem:s17+$0x20];
	s28 =	sand.u32 $0x78, s12;
	[tilespmem:s15+$0x810 ss:$0x81] =	vst.msk $0xffff, v5  }
0x14: {  	v63 =	vld [tilespmem:s17+$0xFFFFFFC0];
	s29 =	sshll.u32 s13, $0x7;
	s30 =	sand.u32 $0xC00, s20;
	[tilespmem:s15+$0x1020 ss:$0x81] =	vst.msk $0xffff, v58;
	s18 =	sshrl.u32 s27, $0x1  }
0x15: {  	s13 =	sand.u32 $0x380, s29;
	s17 =	sor.u32 s28, s30;
	[tilespmem:s15+$0x1830 ss:$0x81] =	vst.msk $0xffff, v59;
	s18 =	smul.u32 $0x3000, s18  }
0x16: {  	s13 =	sor.u32 s13, s17;
	[tilespmem:s15+$0x2040 ss:$0x81] =	vst.msk $0xffff, v60  }
0x17: {  	s31 =	sand.u32 $0x7, s12;
	s13 =	sshrl.u32 s13, $0x3;
	[tilespmem:s15+$0x2850 ss:$0x81] =	vst.msk $0xffff, v61;
	s16 =	ssub.s32 s26, s18  }
0x18: {  	s12 =	sshll.u32 s31, $0x12;
	[tilespmem:s15+$0x3060 ss:$0x81] =	vst.msk $0xffff, v62;
	s13 =	sadd.s32 s3, s13;
	s16 =	sshll.u32 s16, $0x9  }
0x19: {  	s12 =	sor.u32 $0x400, s12;
	[tilespmem:s15+$0x0 ss:$0x81] =	vst.msk $0xffff, v63;
	s13 =	sadd.s32 s16, s13  }
0x1a: {  	[hbm4b:s13+s12] =	stream.strided.scatter [tilespmem:s14], [sflag:$0x2], $0x4000, s8, s12, $0x20;
	[tilespmem:$0x10100] =	vst v63  }
.LBB1_5:
0x1b: {  	s14 =	sadd.s32 $0x80, s9  }
0x1c: {  	s12 =	sadd.s32 $0x1000, s10;
	s16 =	smov.u32 s10;
	p2 =	sgt.s32 s14, $0x2FFF  }
0x1d: {  	s16 =	smov.u32 @p2 s12  }
0x1e: {  	s14 =	simm.s32 @p2 $0x0;
	p2 =	sgt.s32 s16, $0xFFF  }
0x1f: {  	s16 =	smov.u32 @p2 s2;
	p2 =	sne.s32 s11, s7  }
.Ltmp1:
0x20: {  	p1 =	slt.u32 s11, $0x2;
	(pc) =	sbr.rel @!p2 .LBB1_6-.Ltmp1, $4  }
0x21: {  	s15 =	simm.s32 @!p1 $0x2  }
0x22: {  	s13 =	smov.u32 s9;
	p0 =	por !p0, !p0;
	_ =	swait.ge @!p1 [sflag:s15], $0x4000  }
0x23: {  	s12 =	smov.u32 s10;
	[sflag:s15] =	ssyncset.done @!p1 $0x0;
	s9 =	smov.u32 s14  }
0x24: {  	s11 =	sadd.s32 $0x1, s11;
	[sflag:s15] =	ssyncadd.s32 @!p1 $0xFFFFC000;
	s10 =	smov.u32 s16  }
.LBB1_1:
0x25: {  	p1 =	sge.u32 s11, s5  }
0x26: {  	s14 =	sshrl.u32 @!p1 s10, $0x3  }
0x27: {  	s15 =	sshll.u32 @!p1 s9, $0x3;
	s16 =	sshll.u32 @!p1 s10, $0x7;
	s14 =	smul.u32 @!p1 $0x18000, s14  }
0x28: {  	s17 =	sand.u32 @!p1 $0x7F, s9;
	s15 =	sand.u32 @!p1 $0xFFFFFC00, s15;
	s16 =	sand.u32 @!p1 $0x380, s16  }
0x29: {  	s14 =	sadd.s32 @!p1 s14, s15;
	s15 =	sor.u32 @!p1 s17, s16  }
0x2a: {  	s15 =	sor.u32 @!p1 s14, s15  }
0x2b: {  	s16 =	smulhi.u32 @!p1 $0xAAAAAAAB, s15;
	_ =	sdelay $0x1  }
0x2c: {  	s14 =	smulhi.u32 @!p1 $0xAAAAAAAB, s14;
	s16 =	sshrl.u32 @!p1 s16, $0xD  }
0x2d: {  	s16 =	smul.u32 @!p1 $0x3000, s16  }
0x2e: {  	s31 =	sadd.s32 $0xFFFFFFFF, s11;
	s17 =	sxor.u32 @!p1 $0xFFFFFFFF, s11;
	s14 =	sshrl.u32 @!p1 s14, $0xD  }
0x2f: {  	s17 =	sshll.u32 @!p1 s17, $0xE;
	s14 =	sand.u32 @!p1 $0xFFF, s14;
	s15 =	ssub.s32 @!p1 s15, s16  }
0x30: {  	s14 =	smul.u32 @!p1 $0x600, s14;
	s16 =	sshrl.u32 @!p1 s15, $0x3;
	s15 =	sand.u32 @!p1 $0x7, s15  }
0x31: {  	s17 =	sand.u32 @!p1 $0x4000, s17;
	s16 =	sadd.s32 @!p1 s6, s16;
	s15 =	sshll.u32 @!p1 s15, $0x12  }
0x32: {  	s14 =	sadd.s32 @!p1 s14, s16;
	s15 =	sor.u32 @!p1 $0x400, s15;
	s16 =	simm.s32 @!p1 $0x18000  }
0x33: {  	[tilespmem:s17], [sflag:$0x1] =	stream.strided.gather @!p1 [hbm4b:s14+s15], $0x4000, s16, s15, $0x38;
	[tilespmem:$0x10100] =	vst v63  }
0x34: {  	p1 =	sge.u32 s31, s5  }
.Ltmp2:
0x35: {  	_ = 	snop;
	(pc) =	sbr.rel @p1 .LBB1_5-.Ltmp2, $1  }
0x36: {  	_ =	sdelay $0x3  }
0x37: {  	s14 =	simm.s32 $0x1  }
0x38: {  	_ =	swait.ge [sflag:s4], $0x4000;
	s14 =	simm.s32 @!p0 $0x0  }
0x39: {  	[sflag:s4] =	ssyncset.done $0x0;
	s15 =	sshll.u32 s14, $0xE  }
0x3a: {  	[sflag:s4] =	ssyncadd.s32 $0xFFFFC000;
	s17 =	sor.u32 $0x40, s15  }
0x3b: {  	s14 =	smul.u32 $0x10200, s14;
	v0 =	vld [tilespmem:s17+$0x30]  }
0x3c: {  	v1 =	vld [tilespmem:s17+$0xFFFFFFD0]  }
0x3d: {  	s14 =	sshrl.u32 s14, $0x2;
	v5 =	vld [tilespmem:s17+$0xFFFFFFE0]  }
0x3e: {  	v6 =	vld [tilespmem:s17+$0xFFFFFFF0];
	s15 =	sor.u32 $0x8000, s14  }
0x3f: {  	s31 =	sand.u32 $0x1, s11;
	v4 =	vld [tilespmem:s17+$0x0];
	s16 =	sadd.s32 $0x0, s15  }
0x40: {  	v3 =	vld [tilespmem:s17+$0x10];
	s14 =	smul.u32 $0x10200, s31;
	[tilespmem:s16+$0x3870 ss:$0x81] =	vst.msk $0xffff, v0  }
0x41: {  	v2 =	vld [tilespmem:s17+$0x20];
	[tilespmem:s16+$0x810 ss:$0x81] =	vst.msk $0xffff, v1  }
0x42: {  	s14 =	sshrl.u32 s14, $0x2;
	v0 =	vld [tilespmem:s17+$0xFFFFFFC0];
	[tilespmem:s16+$0x1020 ss:$0x81] =	vst.msk $0xffff, v5;
	s17 =	sadd.s32 $0x80, s17  }
0x43: {  	s18 =	simm.s32 $0x4;
	s19 =	simm.s32 $0x8;
	s14 =	sor.u32 $0x8000, s14;
	[tilespmem:s16+$0x1830 ss:$0x81] =	vst.msk $0xffff, v6;
	v1 =	vld [tilespmem:s17+$0x30]  }
.LBB1_3:
0x44: {  	p1 =	sne.s32 s19, $0x1FC;
	v5 =	vld [tilespmem:s17+$0xFFFFFFD0];
	[tilespmem:s16+$0x2040 ss:$0x81] =	vst.msk $0xffff, v4  }
0x45: {  	v6 =	vld [tilespmem:s17+$0xFFFFFFE0];
	[tilespmem:s16+$0x2850 ss:$0x81] =	vst.msk $0xffff, v3  }
0x46: {  	s20 =	sshra.s32 s18, $0x2;
	s18 =	smov.u32 s19;
	v7 =	vld [tilespmem:s17+$0xFFFFFFF0];
	[tilespmem:s16+$0x3060 ss:$0x81] =	vst.msk $0xffff, v2  }
.Ltmp3:
0x47: {  	v4 =	vld [tilespmem:s17+$0x0];
	[tilespmem:s16+$0x0 ss:$0x81] =	vst.msk $0xffff, v0;
	s16 =	sadd.s32 s20, s15;
	(pc) =	sbr.rel @p1 .LBB1_3-.Ltmp3, $4  }
0x48: {  	v3 =	vld [tilespmem:s17+$0x10];
	[tilespmem:s16+$0x3870 ss:$0x81] =	vst.msk $0xffff, v1  }
0x49: {  	[tilespmem:s16+$0x810 ss:$0x81] =	vst.msk $0xffff, v5;
	v2 =	vld [tilespmem:s17+$0x20]  }
0x4a: {  	v0 =	vld [tilespmem:s17+$0xFFFFFFC0];
	[tilespmem:s16+$0x1020 ss:$0x81] =	vst.msk $0xffff, v6;
	s17 =	sadd.s32 $0x80, s17  }
0x4b: {  	s19 =	sadd.s32 $0x4, s19;
	v1 =	vld [tilespmem:s17+$0x30];
	[tilespmem:s16+$0x1830 ss:$0x81] =	vst.msk $0xffff, v7  }
.Ltmp4:
0x4c: {  	_ = 	snop;
	(pc) =	sbr.rel .LBB1_4-.Ltmp4, $1  }
0x4d: {  	_ =	sdelay $0x3  }
.LBB1_6:
0x4e: {  	_ =	sfence.sel $0x180000  }
0x4f: {  	s2 =	simm.s32 $0x1;
	[bflag:$0x0] =	sbarrier.arrive $0xFFFF  }
0x50: {  	s31 =	simm.s32 $0x2;
	[sflag:s2] =	ssyncpa.u1 $0x1  }
0x51: {  	[sflag:s31] =	ssyncpa.u1 $0x1  }
0x52: {  	p0 =	sne.s32 s0, $0x0;
	_ =	strace $0x9000004A  }
0x53: {  	s0 =	sadd.s32 @!p0 $0x100000, s1;
	[bflag:$0x2] =	sbarrier.arrive $0xFFFF  }
0x54: {  	[sflag:s0] =	ssyncadd.tile.s32 @!p0 $0x1;
	_ =	shalt  }
.Lfunc_end1:
_tile_overlayer_lowered:
.L_overlay_start_2:
0x55: {  	(tag) =	ssettag $0x2  }
0x56: {  	s0 =	rddreg [dreg:$0x0];
	s2 =	stileid.u32  }
0x57: {  	s1 =	rddreg [dreg:$0x1];
	p0 =	sne.s32 s2, $0x0  }
0x58: {  	s3 =	rddreg [dreg:$0x2];
	[bflag:$0x3] =	sbarrier.arrive $0xFFFF;
	s2 =	simm.s32 @!p0 $0x1C01  }
0x59: {  	[timem:s3], [sflag:s2] =	dma.local @!p0 [hbm:s0], s1  }
0x5a: {  	s0 =	simm.s32 @!p0 $0x1  }
0x5b: {  	_ =	swait.ge @!p0 [sflag:s0], s1  }
0x5c: {  	s1 =	ssub.s32 @!p0 $0x0, s1;
	[sflag:s0] =	ssyncset.done @!p0 $0x0  }
0x5d: {  	[sflag:s0] =	ssyncadd.s32 @!p0 s1  }
0x5e: {  	[bflag:$0x3] =	sbarrier.arrive $0xFFFF  }
0x5f: {  	_ =	shalt  }

</sc_bundles>
